<compile_context>
chip_gen: v7x
topology: tpu7x:2x2x1
jax: 0.10.2.dev20260603
libtpu: 0.0.44.dev20260713+nightly
codegen_flags: <defaults>
</compile_context>

<pallas_src>
import functools

import jax
import jax.numpy as jnp
from jax import lax
from jax.experimental import pallas as pl
from jax.experimental.pallas import tpu as pltpu
from jax.experimental.pallas import tpu_sc as plsc

N_USERS = 100000
N_ITEMS = 100000
K = 128
B = 16384
L = 16


@functools.lru_cache(maxsize=None)
def _build_sc_kernel():
    info = plsc.get_sparse_core_info()
    NC, NS = info.num_cores, info.num_subcores
    NW = NC * NS
    BPW = B // NW
    C = 128
    NCHUNK = BPW // C
    NGROUP = C // L

    mesh = plsc.VectorSubcoreMesh(core_axis_name="c", subcore_axis_name="s")

    @functools.partial(
        pl.kernel,
        out_type=(
            jax.ShapeDtypeStruct((B,), jnp.float32),
            jax.ShapeDtypeStruct((B, K), jnp.float32),
            jax.ShapeDtypeStruct((B, K), jnp.float32),
            jax.ShapeDtypeStruct((B,), jnp.float32),
        ),
        mesh=mesh,
        compiler_params=pltpu.CompilerParams(needs_layout_passes=False),
        scratch_types=[
            pltpu.VMEM((BPW,), jnp.int32),
            pltpu.VMEM((BPW,), jnp.int32),
            pltpu.VMEM((BPW,), jnp.float32),
            pltpu.VMEM((BPW,), jnp.float32),
            pltpu.VMEM((2, C, K), jnp.float32),
            pltpu.VMEM((2, C, K), jnp.float32),
            pltpu.VMEM((2, C, K), jnp.float32),
            pltpu.VMEM((L * 17,), jnp.float32),
            pltpu.SemaphoreType.DMA,
            pltpu.SemaphoreType.DMA,
            pltpu.SemaphoreType.DMA,
            pltpu.SemaphoreType.DMA,
            pltpu.SemaphoreType.DMA,
            pltpu.SemaphoreType.DMA,
            pltpu.SemaphoreType.DMA,
        ],
    )
    def emb_icd(uidx_hbm, iidx_hbm, know_hbm, theta_hbm, a_hbm, b_hbm,
                pred_out, theta_out, a_out, b_out,
                idx_u, idx_i, b_buf, pred_buf,
                theta_buf, a_buf, know_buf, tile_t,
                sem_t, sem_a, sem_k, semw_t, semw_a, sem_b, sem_wb):
        wid = lax.axis_index("s") * NC + lax.axis_index("c")
        base = wid * BPW
        lane = lax.iota(jnp.int32, L)
        lane17 = lane * 17

        u_cp = pltpu.async_copy(uidx_hbm.at[pl.ds(base, BPW)], idx_u, sem_t)
        i_cp = pltpu.async_copy(iidx_hbm.at[pl.ds(base, BPW)], idx_i, sem_a)
        u_cp.wait()
        i_cp.wait()

        def issue_gathers(c, s):
            rb = base + c * C
            pltpu.async_copy(
                theta_hbm.at[idx_u.at[pl.ds(c * C, C)]], theta_buf.at[s],
                sem_t)
            pltpu.async_copy(
                a_hbm.at[idx_i.at[pl.ds(c * C, C)]], a_buf.at[s], sem_a)
            pltpu.async_copy(
                know_hbm.at[pl.ds(rb, C)], know_buf.at[s], sem_k)

        issue_gathers(0, 0)
        pltpu.async_copy(b_hbm.at[idx_i], b_buf, sem_b)

        def chunk(c, _):
            s = c & 1
            rb = base + c * C
            @pl.when(c > 0)
            def _():
                pltpu.make_async_copy(theta_buf.at[s], theta_out.at[
                    pl.ds(0, C)], semw_t).wait()
                pltpu.make_async_copy(a_buf.at[s], a_out.at[
                    pl.ds(0, C)], semw_a).wait()

            pltpu.make_async_copy(theta_hbm.at[pl.ds(0, C)],
                                  theta_buf.at[s], sem_t).wait()
            pltpu.make_async_copy(a_hbm.at[pl.ds(0, C)],
                                  a_buf.at[s], sem_a).wait()
            pltpu.make_async_copy(know_hbm.at[pl.ds(0, C)],
                                  know_buf.at[s], sem_k).wait()

            @pl.when(c + 1 < NCHUNK)
            def _():
                issue_gathers(c + 1, 1 - s)

            pltpu.async_copy(theta_buf.at[s], theta_out.at[pl.ds(rb, C)],
                             semw_t)
            pltpu.async_copy(a_buf.at[s], a_out.at[pl.ds(rb, C)], semw_a)

            @pl.when(c == 0)
            def _():
                pltpu.make_async_copy(b_hbm.at[pl.ds(0, BPW)], b_buf,
                                      sem_b).wait()
                pltpu.async_copy(b_buf, b_out.at[pl.ds(base, BPW)], sem_wb)

            def group(g, _):
                def rowblk(i, _):
                    for k4 in range(4):
                        r16 = i * 4 + k4
                        r = g * L + r16
                        sl0 = pl.ds(0, L)
                        acc = (theta_buf[s, r, sl0] * a_buf[s, r, sl0]
                               * know_buf[s, r, sl0])
                        for j in range(1, K // L):
                            sl = pl.ds(j * L, L)
                            acc = acc + (theta_buf[s, r, sl]
                                         * a_buf[s, r, sl]
                                         * know_buf[s, r, sl])
                        plsc.store_scatter(tile_t, [lane17 + r16], acc)
                    return 0

                lax.fori_loop(0, L // 4, rowblk, 0, unroll=False)
                ssum = tile_t[pl.ds(0, L)]
                for l in range(1, L):
                    ssum = ssum + tile_t[pl.ds(l * 17, L)]
                off = c * C + g * L
                x = ssum - b_buf[pl.ds(off, L)]
                pred_buf[pl.ds(off, L)] = 1.0 / (1.0 + jnp.exp(-x))
                return 0

            lax.fori_loop(0, NGROUP, group, 0, unroll=False)
            return 0

        lax.fori_loop(0, NCHUNK, chunk, 0, unroll=False)

        pltpu.sync_copy(pred_buf, pred_out.at[pl.ds(base, BPW)])
        s_last = (NCHUNK - 1) & 1
        pltpu.make_async_copy(theta_buf.at[s_last],
                              theta_out.at[pl.ds(0, C)], semw_t).wait()
        pltpu.make_async_copy(a_buf.at[s_last],
                              a_out.at[pl.ds(0, C)], semw_a).wait()
        pltpu.make_async_copy(b_buf, b_out.at[pl.ds(base, BPW)],
                              sem_wb).wait()

    return emb_icd


@jax.jit
def kernel(user_idx, item_idx, know, theta_table, a_table, b_table):
    emb_icd = _build_sc_kernel()
    pred, theta, a, b_flat = emb_icd(
        user_idx.astype(jnp.int32),
        item_idx.astype(jnp.int32),
        know,
        theta_table,
        a_table,
        b_table.reshape(-1),
    )
    return pred, theta, a, b_flat[:, None]

# --- scband reference (transcript-rebuilt; emitter-appended) ---
"""Pipeline reference for scband-emb-icd-9242769622075 (READ-ONLY COPY).

The authoritative reference and input builder live on the scoring server;
editing this copy changes nothing except your own understanding.
"""

import jax, jax.numpy as jnp
import numpy as np

N_USERS = 100000
N_ITEMS = 100000
K = 128
B = 16384


def int_fc(theta, a, b, know):
    # MIRT-style 2PL interaction function: sigmoid(sum_k know*a*theta - b)
    return jax.nn.sigmoid(jnp.sum(know * a * theta, axis=-1) - b)


def setup_inputs(seed: int = 0) -> dict:
    key = jax.random.key(seed)
    ku, ki, kk, kt, ka, kb = jax.random.split(key, 6)
    user_idx = jax.random.randint(ku, (B,), 0, N_USERS, dtype=jnp.int64) if jax.config.jax_enable_x64 else jax.random.randint(ku, (B,), 0, N_USERS, dtype=jnp.int32)
    item_idx = jax.random.randint(ki, (B,), 0, N_ITEMS, dtype=jnp.int32)
    know = jax.random.uniform(kk, (B, K), dtype=jnp.float32)
    theta_table = jax.random.normal(kt, (N_USERS, K), dtype=jnp.float32)
    a_table = jax.random.normal(ka, (N_ITEMS, K), dtype=jnp.float32)
    # original weights[2] is 1-D -> stored as [N_ITEMS, 1] embedding
    b_table = jax.random.normal(kb, (N_ITEMS,), dtype=jnp.float32)[:, None]
    return {
        "user_idx": user_idx,
        "item_idx": item_idx,
        "know": know,
        "theta_table": theta_table,
        "a_table": a_table,
        "b_table": b_table,
    }


def reference(user_idx, item_idx, know, theta_table, a_table, b_table):
    # embedding lookups (theta_emb, a_emb, b_emb)
    theta = jnp.take(theta_table, user_idx, axis=0)
    a = jnp.take(a_table, item_idx, axis=0)
    b = jnp.take(b_table, item_idx, axis=0)
    # torch code: self.int_fc(theta, a, torch.squeeze(b), know).view(-1)
    pred = int_fc(theta, a, jnp.squeeze(b, axis=-1), know).reshape(-1)
    # forward returns (pred, theta, a, b); theta/a/b are detached leaf copies
    return (pred, theta, a, b)

if __name__ == "__main__":
    import jax
    _d = setup_inputs()
    print(jax.jit(kernel)(*tuple(_d.values())))

</pallas_src>

<mosaic_0001>
#map = affine_map<(d0, d1) -> (0)>
#map1 = affine_map<(d0, d1) -> (0, 0)>
module attributes {stable_mosaic.version = 14 : i64} {
  func.func @emb_icd(%arg0: i32, %arg1: i32, %arg2: memref<16384xi32, #tpu.memory_space<hbm>>, %arg3: memref<16384xi32, #tpu.memory_space<hbm>>, %arg4: memref<16384x128xf32, #tpu.memory_space<hbm>>, %arg5: memref<100000x128xf32, #tpu.memory_space<hbm>>, %arg6: memref<100000x128xf32, #tpu.memory_space<hbm>>, %arg7: memref<100000xf32, #tpu.memory_space<hbm>>, %arg8: memref<16384xf32, #tpu.memory_space<hbm>>, %arg9: memref<16384x128xf32, #tpu.memory_space<hbm>>, %arg10: memref<16384x128xf32, #tpu.memory_space<hbm>>, %arg11: memref<16384xf32, #tpu.memory_space<hbm>>, %arg12: memref<512xi32, #tpu.memory_space<vmem>>, %arg13: memref<512xi32, #tpu.memory_space<vmem>>, %arg14: memref<512xf32, #tpu.memory_space<vmem>>, %arg15: memref<512xf32, #tpu.memory_space<vmem>>, %arg16: memref<2x128x128xf32, #tpu.memory_space<vmem>>, %arg17: memref<2x128x128xf32, #tpu.memory_space<vmem>>, %arg18: memref<2x128x128xf32, #tpu.memory_space<vmem>>, %arg19: memref<272xf32, #tpu.memory_space<vmem>>, %arg20: memref<!tpu.dma_semaphore, #tpu.memory_space<semaphore_mem>>, %arg21: memref<!tpu.dma_semaphore, #tpu.memory_space<semaphore_mem>>, %arg22: memref<!tpu.dma_semaphore, #tpu.memory_space<semaphore_mem>>, %arg23: memref<!tpu.dma_semaphore, #tpu.memory_space<semaphore_mem>>, %arg24: memref<!tpu.dma_semaphore, #tpu.memory_space<semaphore_mem>>, %arg25: memref<!tpu.dma_semaphore, #tpu.memory_space<semaphore_mem>>, %arg26: memref<!tpu.dma_semaphore, #tpu.memory_space<semaphore_mem>>) attributes {dimension_semantics = [#tpu.dimension_semantics<core_parallel>, #tpu.dimension_semantics<subcore_parallel>], iteration_bounds = array<i64: 2, 16>, scalar_prefetch = 0 : i64, scratch_operands = 15 : i64, tpu.core_type = #tpu.core_type<sc_vector_subcore>, window_params = [{transform_indices = #map}, {transform_indices = #map}, {transform_indices = #map1}, {transform_indices = #map1}, {transform_indices = #map1}, {transform_indices = #map}, {transform_indices = #map}, {transform_indices = #map1}, {transform_indices = #map1}, {transform_indices = #map}]} {
    %mul3A = arith.constant 2 : i32
    %mul3A_0 = arith.muli %arg1, %mul3A : i32
    %add3A = arith.addi %mul3A_0, %arg0 : i32
    %mul3A_1 = arith.constant 512 : i32
    %mul3A_2 = arith.muli %add3A, %mul3A_1 : i32
    %iota3A = tpu.iota {dimensions = array<i32: 0>} : vector<16xi32>
    %mul3A_3 = arith.constant 17 : i32
    %mul3A_4 = vector.broadcast %mul3A_3 : i32 to vector<16xi32>
    %mul3A_5 = arith.muli %iota3A, %mul3A_4 : vector<16xi32>
    %dma_start3A = tpu.memref_slice %arg2[%mul3A_2] : memref<16384xi32, #tpu.memory_space<hbm>> -> memref<512xi32, #tpu.memory_space<hbm>>
    %dma_start3A_6 = tpu.memref_slice %arg2[%mul3A_2] : memref<16384xi32, #tpu.memory_space<hbm>> -> memref<512xi32, #tpu.memory_space<hbm>>
    tpu.enqueue_dma source(%dma_start3A_6 : memref<512xi32, #tpu.memory_space<hbm>>) target(%arg12 : memref<512xi32, #tpu.memory_space<vmem>>) target_semaphore(%arg20 : memref<!tpu.dma_semaphore, #tpu.memory_space<semaphore_mem>>)
    %dma_start3A_7 = tpu.memref_slice %arg3[%mul3A_2] : memref<16384xi32, #tpu.memory_space<hbm>> -> memref<512xi32, #tpu.memory_space<hbm>>
    %dma_start3A_8 = tpu.memref_slice %arg3[%mul3A_2] : memref<16384xi32, #tpu.memory_space<hbm>> -> memref<512xi32, #tpu.memory_space<hbm>>
    tpu.enqueue_dma source(%dma_start3A_8 : memref<512xi32, #tpu.memory_space<hbm>>) target(%arg13 : memref<512xi32, #tpu.memory_space<vmem>>) target_semaphore(%arg21 : memref<!tpu.dma_semaphore, #tpu.memory_space<semaphore_mem>>)
    %dma_wait3A = tpu.memref_slice %arg2[%mul3A_2] : memref<16384xi32, #tpu.memory_space<hbm>> -> memref<512xi32, #tpu.memory_space<hbm>>
    %dma_wait3A_9 = tpu.memref_slice %arg2[%mul3A_2] : memref<16384xi32, #tpu.memory_space<hbm>> -> memref<512xi32, #tpu.memory_space<hbm>>
    tpu.wait_dma2 semaphore(%arg20 : memref<!tpu.dma_semaphore, #tpu.memory_space<semaphore_mem>>) src(%dma_wait3A_9 : memref<512xi32, #tpu.memory_space<hbm>>) dst(%arg12 : memref<512xi32, #tpu.memory_space<vmem>>)
    %dma_wait3A_10 = tpu.memref_slice %arg3[%mul3A_2] : memref<16384xi32, #tpu.memory_space<hbm>> -> memref<512xi32, #tpu.memory_space<hbm>>
    %dma_wait3A_11 = tpu.memref_slice %arg3[%mul3A_2] : memref<16384xi32, #tpu.memory_space<hbm>> -> memref<512xi32, #tpu.memory_space<hbm>>
    tpu.wait_dma2 semaphore(%arg21 : memref<!tpu.dma_semaphore, #tpu.memory_space<semaphore_mem>>) src(%dma_wait3A_11 : memref<512xi32, #tpu.memory_space<hbm>>) dst(%arg13 : memref<512xi32, #tpu.memory_space<vmem>>)
    %add3A_12 = arith.constant 0 : i32
    %add3A_13 = arith.addi %mul3A_2, %add3A_12 : i32
    %dma_start3A_14 = arith.constant 0 : i32
    %dma_start3A_15 = arith.constant 0 : i32
    %dma_start3A_16 = arith.constant 0 : i32
    %dma_start3A_17 = tpu.memref_slice %arg16[%dma_start3A_14, %dma_start3A_15, %dma_start3A_16] : memref<2x128x128xf32, #tpu.memory_space<vmem>> -> memref<1x128x128xf32, #tpu.memory_space<vmem>>
    %dma_start3A_18 = tpu.memref_squeeze %dma_start3A_17 : memref<1x128x128xf32, #tpu.memory_space<vmem>> -> memref<128x128xf32, #tpu.memory_space<vmem>>
    %dma_start3A_19 = arith.constant 0 : i32
    %dma_start3A_20 = tpu.memref_slice %arg12[%dma_start3A_19] : memref<512xi32, #tpu.memory_space<vmem>> -> memref<128xi32, #tpu.memory_space<vmem>>
    %dma_start3A_21 = arith.constant 0 : i32
    %dma_start3A_22 = arith.constant 0 : i32
    %dma_start3A_23 = tpu.memref_slice %arg5[%dma_start3A_21, %dma_start3A_22] : memref<100000x128xf32, #tpu.memory_space<hbm>> -> memref<100000x128xf32, #tpu.memory_space<hbm>>
    tpu.enqueue_indirect_dma source(%dma_start3A_23 : memref<100000x128xf32, #tpu.memory_space<hbm>>) target(%dma_start3A_18 : memref<128x128xf32, #tpu.memory_space<vmem>>) offsets(%dma_start3A_20 : memref<128xi32, #tpu.memory_space<vmem>>) semaphore(%arg20 : memref<!tpu.dma_semaphore, #tpu.memory_space<semaphore_mem>>)
    %dma_start3A_24 = arith.constant 0 : i32
    %dma_start3A_25 = arith.constant 0 : i32
    %dma_start3A_26 = arith.constant 0 : i32
    %dma_start3A_27 = tpu.memref_slice %arg17[%dma_start3A_24, %dma_start3A_25, %dma_start3A_26] : memref<2x128x128xf32, #tpu.memory_space<vmem>> -> memref<1x128x128xf32, #tpu.memory_space<vmem>>
    %dma_start3A_28 = tpu.memref_squeeze %dma_start3A_27 : memref<1x128x128xf32, #tpu.memory_space<vmem>> -> memref<128x128xf32, #tpu.memory_space<vmem>>
    %dma_start3A_29 = arith.constant 0 : i32
    %dma_start3A_30 = tpu.memref_slice %arg13[%dma_start3A_29] : memref<512xi32, #tpu.memory_space<vmem>> -> memref<128xi32, #tpu.memory_space<vmem>>
    %dma_start3A_31 = arith.constant 0 : i32
    %dma_start3A_32 = arith.constant 0 : i32
    %dma_start3A_33 = tpu.memref_slice %arg6[%dma_start3A_31, %dma_start3A_32] : memref<100000x128xf32, #tpu.memory_space<hbm>> -> memref<100000x128xf32, #tpu.memory_space<hbm>>
    tpu.enqueue_indirect_dma source(%dma_start3A_33 : memref<100000x128xf32, #tpu.memory_space<hbm>>) target(%dma_start3A_28 : memref<128x128xf32, #tpu.memory_space<vmem>>) offsets(%dma_start3A_30 : memref<128xi32, #tpu.memory_space<vmem>>) semaphore(%arg21 : memref<!tpu.dma_semaphore, #tpu.memory_space<semaphore_mem>>)
    %dma_start3A_34 = arith.constant 0 : i32
    %dma_start3A_35 = arith.constant 0 : i32
    %dma_start3A_36 = arith.constant 0 : i32
    %dma_start3A_37 = tpu.memref_slice %arg18[%dma_start3A_34, %dma_start3A_35, %dma_start3A_36] : memref<2x128x128xf32, #tpu.memory_space<vmem>> -> memref<1x128x128xf32, #tpu.memory_space<vmem>>
    %dma_start3A_38 = tpu.memref_squeeze %dma_start3A_37 : memref<1x128x128xf32, #tpu.memory_space<vmem>> -> memref<128x128xf32, #tpu.memory_space<vmem>>
    %dma_start3A_39 = arith.constant 0 : i32
    %dma_start3A_40 = tpu.memref_slice %arg4[%add3A_13, %dma_start3A_39] : memref<16384x128xf32, #tpu.memory_space<hbm>> -> memref<128x128xf32, #tpu.memory_space<hbm>>
    %dma_start3A_41 = arith.constant 0 : i32
    %dma_start3A_42 = arith.constant 0 : i32
    %dma_start3A_43 = tpu.memref_slice %arg18[%dma_start3A_34, %dma_start3A_41, %dma_start3A_42] : memref<2x128x128xf32, #tpu.memory_space<vmem>> -> memref<1x128x128xf32, #tpu.memory_space<vmem>>
    %dma_start3A_44 = tpu.memref_squeeze %dma_start3A_43 : memref<1x128x128xf32, #tpu.memory_space<vmem>> -> memref<128x128xf32, #tpu.memory_space<vmem>>
    %dma_start3A_45 = arith.constant 0 : i32
    %dma_start3A_46 = tpu.memref_slice %arg4[%add3A_13, %dma_start3A_45] : memref<16384x128xf32, #tpu.memory_space<hbm>> -> memref<128x128xf32, #tpu.memory_space<hbm>>
    tpu.enqueue_dma source(%dma_start3A_46 : memref<128x128xf32, #tpu.memory_space<hbm>>) target(%dma_start3A_44 : memref<128x128xf32, #tpu.memory_space<vmem>>) target_semaphore(%arg22 : memref<!tpu.dma_semaphore, #tpu.memory_space<semaphore_mem>>)
    %dma_start3A_47 = arith.constant 0 : i32
    %dma_start3A_48 = tpu.memref_slice %arg7[%dma_start3A_47] : memref<100000xf32, #tpu.memory_space<hbm>> -> memref<100000xf32, #tpu.memory_space<hbm>>
    tpu.enqueue_indirect_dma source(%dma_start3A_48 : memref<100000xf32, #tpu.memory_space<hbm>>) target(%arg14 : memref<512xf32, #tpu.memory_space<vmem>>) offsets(%arg13 : memref<512xi32, #tpu.memory_space<vmem>>) semaphore(%arg25 : memref<!tpu.dma_semaphore, #tpu.memory_space<semaphore_mem>>)
    %scan3A = arith.constant 0 : i32
    %scan3A_49 = arith.constant 0 : i32
    %scan3A_50 = arith.constant 4 : i32
    %scan3A_51 = arith.addi %scan3A_49, %scan3A_50 : i32
    %scan3A_52 = arith.constant 1 : i32
    %scan3A_53 = scf.for %scan3A_87 = %scan3A_49 to %scan3A_51 step %scan3A_52 iter_args(%scan3A_88 = %scan3A) -> (i32)  : i32 {
      %and3A = arith.constant 1 : i32
      %and3A_89 = arith.andi %scan3A_87, %and3A : i32
      %mul3A_90 = arith.constant 128 : i32
      %mul3A_91 = arith.muli %scan3A_87, %mul3A_90 : i32
      %add3A_92 = arith.addi %mul3A_2, %mul3A_91 : i32
      %gt3A = arith.constant 0 : i32
      %gt3A_93 = arith.cmpi sgt, %scan3A_87, %gt3A : i32
      %convert_element_type3A = arith.extui %gt3A_93 : i1 to i32
      %cond3A = arith.constant 0 : i32
      %cond3A_94 = arith.cmpi ne, %convert_element_type3A, %cond3A : i32
      scf.if %cond3A_94 {
        %dma_wait3A_179 = arith.constant 0 : i32
        %dma_wait3A_180 = arith.constant 0 : i32
        %dma_wait3A_181 = tpu.memref_slice %arg16[%and3A_89, %dma_wait3A_179, %dma_wait3A_180] : memref<2x128x128xf32, #tpu.memory_space<vmem>> -> memref<1x128x128xf32, #tpu.memory_space<vmem>>
        %dma_wait3A_182 = tpu.memref_squeeze %dma_wait3A_181 : memref<1x128x128xf32, #tpu.memory_space<vmem>> -> memref<128x128xf32, #tpu.memory_space<vmem>>
        %dma_wait3A_183 = arith.constant 0 : i32
        %dma_wait3A_184 = arith.constant 0 : i32
        %dma_wait3A_185 = tpu.memref_slice %arg9[%dma_wait3A_183, %dma_wait3A_184] : memref<16384x128xf32, #tpu.memory_space<hbm>> -> memref<128x128xf32, #tpu.memory_space<hbm>>
        %dma_wait3A_186 = arith.constant 0 : i32
        %dma_wait3A_187 = arith.constant 0 : i32
        %dma_wait3A_188 = tpu.memref_slice %arg9[%dma_wait3A_186, %dma_wait3A_187] : memref<16384x128xf32, #tpu.memory_space<hbm>> -> memref<128x128xf32, #tpu.memory_space<hbm>>
        %dma_wait3A_189 = arith.constant 0 : i32
        %dma_wait3A_190 = arith.constant 0 : i32
        %dma_wait3A_191 = tpu.memref_slice %arg16[%and3A_89, %dma_wait3A_189, %dma_wait3A_190] : memref<2x128x128xf32, #tpu.memory_space<vmem>> -> memref<1x128x128xf32, #tpu.memory_space<vmem>>
        %dma_wait3A_192 = tpu.memref_squeeze %dma_wait3A_191 : memref<1x128x128xf32, #tpu.memory_space<vmem>> -> memref<128x128xf32, #tpu.memory_space<vmem>>
        tpu.wait_dma2 semaphore(%arg23 : memref<!tpu.dma_semaphore, #tpu.memory_space<semaphore_mem>>) src(%dma_wait3A_192 : memref<128x128xf32, #tpu.memory_space<vmem>>) dst(%dma_wait3A_188 : memref<128x128xf32, #tpu.memory_space<hbm>>)
        %dma_wait3A_193 = arith.constant 0 : i32
        %dma_wait3A_194 = arith.constant 0 : i32
        %dma_wait3A_195 = tpu.memref_slice %arg17[%and3A_89, %dma_wait3A_193, %dma_wait3A_194] : memref<2x128x128xf32, #tpu.memory_space<vmem>> -> memref<1x128x128xf32, #tpu.memory_space<vmem>>
        %dma_wait3A_196 = tpu.memref_squeeze %dma_wait3A_195 : memref<1x128x128xf32, #tpu.memory_space<vmem>> -> memref<128x128xf32, #tpu.memory_space<vmem>>
        %dma_wait3A_197 = arith.constant 0 : i32
        %dma_wait3A_198 = arith.constant 0 : i32
        %dma_wait3A_199 = tpu.memref_slice %arg10[%dma_wait3A_197, %dma_wait3A_198] : memref<16384x128xf32, #tpu.memory_space<hbm>> -> memref<128x128xf32, #tpu.memory_space<hbm>>
        %dma_wait3A_200 = arith.constant 0 : i32
        %dma_wait3A_201 = arith.constant 0 : i32
        %dma_wait3A_202 = tpu.memref_slice %arg10[%dma_wait3A_200, %dma_wait3A_201] : memref<16384x128xf32, #tpu.memory_space<hbm>> -> memref<128x128xf32, #tpu.memory_space<hbm>>
        %dma_wait3A_203 = arith.constant 0 : i32
        %dma_wait3A_204 = arith.constant 0 : i32
        %dma_wait3A_205 = tpu.memref_slice %arg17[%and3A_89, %dma_wait3A_203, %dma_wait3A_204] : memref<2x128x128xf32, #tpu.memory_space<vmem>> -> memref<1x128x128xf32, #tpu.memory_space<vmem>>
        %dma_wait3A_206 = tpu.memref_squeeze %dma_wait3A_205 : memref<1x128x128xf32, #tpu.memory_space<vmem>> -> memref<128x128xf32, #tpu.memory_space<vmem>>
        tpu.wait_dma2 semaphore(%arg24 : memref<!tpu.dma_semaphore, #tpu.memory_space<semaphore_mem>>) src(%dma_wait3A_206 : memref<128x128xf32, #tpu.memory_space<vmem>>) dst(%dma_wait3A_202 : memref<128x128xf32, #tpu.memory_space<hbm>>)
      } else {
      }
      %dma_wait3A_95 = arith.constant 0 : i32
      %dma_wait3A_96 = arith.constant 0 : i32
      %dma_wait3A_97 = tpu.memref_slice %arg16[%and3A_89, %dma_wait3A_95, %dma_wait3A_96] : memref<2x128x128xf32, #tpu.memory_space<vmem>> -> memref<1x128x128xf32, #tpu.memory_space<vmem>>
      %dma_wait3A_98 = tpu.memref_squeeze %dma_wait3A_97 : memref<1x128x128xf32, #tpu.memory_space<vmem>> -> memref<128x128xf32, #tpu.memory_space<vmem>>
      %dma_wait3A_99 = arith.constant 0 : i32
      %dma_wait3A_100 = arith.constant 0 : i32
      %dma_wait3A_101 = tpu.memref_slice %arg5[%dma_wait3A_99, %dma_wait3A_100] : memref<100000x128xf32, #tpu.memory_space<hbm>> -> memref<128x128xf32, #tpu.memory_space<hbm>>
      %dma_wait3A_102 = arith.constant 0 : i32
      %dma_wait3A_103 = arith.constant 0 : i32
      %dma_wait3A_104 = tpu.memref_slice %arg16[%and3A_89, %dma_wait3A_102, %dma_wait3A_103] : memref<2x128x128xf32, #tpu.memory_space<vmem>> -> memref<1x128x128xf32, #tpu.memory_space<vmem>>
      %dma_wait3A_105 = tpu.memref_squeeze %dma_wait3A_104 : memref<1x128x128xf32, #tpu.memory_space<vmem>> -> memref<128x128xf32, #tpu.memory_space<vmem>>
      %dma_wait3A_106 = arith.constant 0 : i32
      %dma_wait3A_107 = arith.constant 0 : i32
      %dma_wait3A_108 = tpu.memref_slice %arg5[%dma_wait3A_106, %dma_wait3A_107] : memref<100000x128xf32, #tpu.memory_space<hbm>> -> memref<128x128xf32, #tpu.memory_space<hbm>>
      tpu.wait_dma2 semaphore(%arg20 : memref<!tpu.dma_semaphore, #tpu.memory_space<semaphore_mem>>) src(%dma_wait3A_108 : memref<128x128xf32, #tpu.memory_space<hbm>>) dst(%dma_wait3A_105 : memref<128x128xf32, #tpu.memory_space<vmem>>)
      %dma_wait3A_109 = arith.constant 0 : i32
      %dma_wait3A_110 = arith.constant 0 : i32
      %dma_wait3A_111 = tpu.memref_slice %arg17[%and3A_89, %dma_wait3A_109, %dma_wait3A_110] : memref<2x128x128xf32, #tpu.memory_space<vmem>> -> memref<1x128x128xf32, #tpu.memory_space<vmem>>
      %dma_wait3A_112 = tpu.memref_squeeze %dma_wait3A_111 : memref<1x128x128xf32, #tpu.memory_space<vmem>> -> memref<128x128xf32, #tpu.memory_space<vmem>>
      %dma_wait3A_113 = arith.constant 0 : i32
      %dma_wait3A_114 = arith.constant 0 : i32
      %dma_wait3A_115 = tpu.memref_slice %arg6[%dma_wait3A_113, %dma_wait3A_114] : memref<100000x128xf32, #tpu.memory_space<hbm>> -> memref<128x128xf32, #tpu.memory_space<hbm>>
      %dma_wait3A_116 = arith.constant 0 : i32
      %dma_wait3A_117 = arith.constant 0 : i32
      %dma_wait3A_118 = tpu.memref_slice %arg17[%and3A_89, %dma_wait3A_116, %dma_wait3A_117] : memref<2x128x128xf32, #tpu.memory_space<vmem>> -> memref<1x128x128xf32, #tpu.memory_space<vmem>>
      %dma_wait3A_119 = tpu.memref_squeeze %dma_wait3A_118 : memref<1x128x128xf32, #tpu.memory_space<vmem>> -> memref<128x128xf32, #tpu.memory_space<vmem>>
      %dma_wait3A_120 = arith.constant 0 : i32
      %dma_wait3A_121 = arith.constant 0 : i32
      %dma_wait3A_122 = tpu.memref_slice %arg6[%dma_wait3A_120, %dma_wait3A_121] : memref<100000x128xf32, #tpu.memory_space<hbm>> -> memref<128x128xf32, #tpu.memory_space<hbm>>
      tpu.wait_dma2 semaphore(%arg21 : memref<!tpu.dma_semaphore, #tpu.memory_space<semaphore_mem>>) src(%dma_wait3A_122 : memref<128x128xf32, #tpu.memory_space<hbm>>) dst(%dma_wait3A_119 : memref<128x128xf32, #tpu.memory_space<vmem>>)
      %dma_wait3A_123 = arith.constant 0 : i32
      %dma_wait3A_124 = arith.constant 0 : i32
      %dma_wait3A_125 = tpu.memref_slice %arg18[%and3A_89, %dma_wait3A_123, %dma_wait3A_124] : memref<2x128x128xf32, #tpu.memory_space<vmem>> -> memref<1x128x128xf32, #tpu.memory_space<vmem>>
      %dma_wait3A_126 = tpu.memref_squeeze %dma_wait3A_125 : memref<1x128x128xf32, #tpu.memory_space<vmem>> -> memref<128x128xf32, #tpu.memory_space<vmem>>
      %dma_wait3A_127 = arith.constant 0 : i32
      %dma_wait3A_128 = arith.constant 0 : i32
      %dma_wait3A_129 = tpu.memref_slice %arg4[%dma_wait3A_127, %dma_wait3A_128] : memref<16384x128xf32, #tpu.memory_space<hbm>> -> memref<128x128xf32, #tpu.memory_space<hbm>>
      %dma_wait3A_130 = arith.constant 0 : i32
      %dma_wait3A_131 = arith.constant 0 : i32
      %dma_wait3A_132 = tpu.memref_slice %arg18[%and3A_89, %dma_wait3A_130, %dma_wait3A_131] : memref<2x128x128xf32, #tpu.memory_space<vmem>> -> memref<1x128x128xf32, #tpu.memory_space<vmem>>
      %dma_wait3A_133 = tpu.memref_squeeze %dma_wait3A_132 : memref<1x128x128xf32, #tpu.memory_space<vmem>> -> memref<128x128xf32, #tpu.memory_space<vmem>>
      %dma_wait3A_134 = arith.constant 0 : i32
      %dma_wait3A_135 = arith.constant 0 : i32
      %dma_wait3A_136 = tpu.memref_slice %arg4[%dma_wait3A_134, %dma_wait3A_135] : memref<16384x128xf32, #tpu.memory_space<hbm>> -> memref<128x128xf32, #tpu.memory_space<hbm>>
      tpu.wait_dma2 semaphore(%arg22 : memref<!tpu.dma_semaphore, #tpu.memory_space<semaphore_mem>>) src(%dma_wait3A_136 : memref<128x128xf32, #tpu.memory_space<hbm>>) dst(%dma_wait3A_133 : memref<128x128xf32, #tpu.memory_space<vmem>>)
      %add3A_137 = arith.constant 1 : i32
      %add3A_138 = arith.addi %scan3A_87, %add3A_137 : i32
      %lt3A = arith.constant 4 : i32
      %lt3A_139 = arith.cmpi slt, %add3A_138, %lt3A : i32
      %convert_element_type3A_140 = arith.extui %lt3A_139 : i1 to i32
      %cond3A_141 = arith.constant 0 : i32
      %cond3A_142 = arith.cmpi ne, %convert_element_type3A_140, %cond3A_141 : i32
      scf.if %cond3A_142 {
        %add3A_179 = arith.constant 1 : i32
        %add3A_180 = arith.addi %scan3A_87, %add3A_179 : i32
        %sub3A = arith.constant 1 : i32
        %sub3A_181 = arith.subi %sub3A, %and3A_89 : i32
        %mul3A_182 = arith.constant 128 : i32
        %mul3A_183 = arith.muli %add3A_180, %mul3A_182 : i32
        %add3A_184 = arith.addi %mul3A_2, %mul3A_183 : i32
        %mul3A_185 = arith.constant 128 : i32
        %mul3A_186 = arith.muli %add3A_180, %mul3A_185 : i32
        %dma_start3A_187 = arith.constant 0 : i32
        %dma_start3A_188 = arith.constant 0 : i32
        %dma_start3A_189 = tpu.memref_slice %arg16[%sub3A_181, %dma_start3A_187, %dma_start3A_188] : memref<2x128x128xf32, #tpu.memory_space<vmem>> -> memref<1x128x128xf32, #tpu.memory_space<vmem>>
        %dma_start3A_190 = tpu.memref_squeeze %dma_start3A_189 : memref<1x128x128xf32, #tpu.memory_space<vmem>> -> memref<128x128xf32, #tpu.memory_space<vmem>>
        %dma_start3A_191 = tpu.memref_slice %arg12[%mul3A_186] : memref<512xi32, #tpu.memory_space<vmem>> -> memref<128xi32, #tpu.memory_space<vmem>>
        %dma_start3A_192 = arith.constant 0 : i32
        %dma_start3A_193 = arith.constant 0 : i32
        %dma_start3A_194 = tpu.memref_slice %arg5[%dma_start3A_192, %dma_start3A_193] : memref<100000x128xf32, #tpu.memory_space<hbm>> -> memref<100000x128xf32, #tpu.memory_space<hbm>>
        tpu.enqueue_indirect_dma source(%dma_start3A_194 : memref<100000x128xf32, #tpu.memory_space<hbm>>) target(%dma_start3A_190 : memref<128x128xf32, #tpu.memory_space<vmem>>) offsets(%dma_start3A_191 : memref<128xi32, #tpu.memory_space<vmem>>) semaphore(%arg20 : memref<!tpu.dma_semaphore, #tpu.memory_space<semaphore_mem>>)
        %mul3A_195 = arith.constant 128 : i32
        %mul3A_196 = arith.muli %add3A_180, %mul3A_195 : i32
        %dma_start3A_197 = arith.constant 0 : i32
        %dma_start3A_198 = arith.constant 0 : i32
        %dma_start3A_199 = tpu.memref_slice %arg17[%sub3A_181, %dma_start3A_197, %dma_start3A_198] : memref<2x128x128xf32, #tpu.memory_space<vmem>> -> memref<1x128x128xf32, #tpu.memory_space<vmem>>
        %dma_start3A_200 = tpu.memref_squeeze %dma_start3A_199 : memref<1x128x128xf32, #tpu.memory_space<vmem>> -> memref<128x128xf32, #tpu.memory_space<vmem>>
        %dma_start3A_201 = tpu.memref_slice %arg13[%mul3A_196] : memref<512xi32, #tpu.memory_space<vmem>> -> memref<128xi32, #tpu.memory_space<vmem>>
        %dma_start3A_202 = arith.constant 0 : i32
        %dma_start3A_203 = arith.constant 0 : i32
        %dma_start3A_204 = tpu.memref_slice %arg6[%dma_start3A_202, %dma_start3A_203] : memref<100000x128xf32, #tpu.memory_space<hbm>> -> memref<100000x128xf32, #tpu.memory_space<hbm>>
        tpu.enqueue_indirect_dma source(%dma_start3A_204 : memref<100000x128xf32, #tpu.memory_space<hbm>>) target(%dma_start3A_200 : memref<128x128xf32, #tpu.memory_space<vmem>>) offsets(%dma_start3A_201 : memref<128xi32, #tpu.memory_space<vmem>>) semaphore(%arg21 : memref<!tpu.dma_semaphore, #tpu.memory_space<semaphore_mem>>)
        %dma_start3A_205 = arith.constant 0 : i32
        %dma_start3A_206 = arith.constant 0 : i32
        %dma_start3A_207 = tpu.memref_slice %arg18[%sub3A_181, %dma_start3A_205, %dma_start3A_206] : memref<2x128x128xf32, #tpu.memory_space<vmem>> -> memref<1x128x128xf32, #tpu.memory_space<vmem>>
        %dma_start3A_208 = tpu.memref_squeeze %dma_start3A_207 : memref<1x128x128xf32, #tpu.memory_space<vmem>> -> memref<128x128xf32, #tpu.memory_space<vmem>>
        %dma_start3A_209 = arith.constant 0 : i32
        %dma_start3A_210 = tpu.memref_slice %arg4[%add3A_184, %dma_start3A_209] : memref<16384x128xf32, #tpu.memory_space<hbm>> -> memref<128x128xf32, #tpu.memory_space<hbm>>
        %dma_start3A_211 = arith.constant 0 : i32
        %dma_start3A_212 = arith.constant 0 : i32
        %dma_start3A_213 = tpu.memref_slice %arg18[%sub3A_181, %dma_start3A_211, %dma_start3A_212] : memref<2x128x128xf32, #tpu.memory_space<vmem>> -> memref<1x128x128xf32, #tpu.memory_space<vmem>>
        %dma_start3A_214 = tpu.memref_squeeze %dma_start3A_213 : memref<1x128x128xf32, #tpu.memory_space<vmem>> -> memref<128x128xf32, #tpu.memory_space<vmem>>
        %dma_start3A_215 = arith.constant 0 : i32
        %dma_start3A_216 = tpu.memref_slice %arg4[%add3A_184, %dma_start3A_215] : memref<16384x128xf32, #tpu.memory_space<hbm>> -> memref<128x128xf32, #tpu.memory_space<hbm>>
        tpu.enqueue_dma source(%dma_start3A_216 : memref<128x128xf32, #tpu.memory_space<hbm>>) target(%dma_start3A_214 : memref<128x128xf32, #tpu.memory_space<vmem>>) target_semaphore(%arg22 : memref<!tpu.dma_semaphore, #tpu.memory_space<semaphore_mem>>)
      } else {
      }
      %dma_start3A_143 = arith.constant 0 : i32
      %dma_start3A_144 = arith.constant 0 : i32
      %dma_start3A_145 = tpu.memref_slice %arg16[%and3A_89, %dma_start3A_143, %dma_start3A_144] : memref<2x128x128xf32, #tpu.memory_space<vmem>> -> memref<1x128x128xf32, #tpu.memory_space<vmem>>
      %dma_start3A_146 = tpu.memref_squeeze %dma_start3A_145 : memref<1x128x128xf32, #tpu.memory_space<vmem>> -> memref<128x128xf32, #tpu.memory_space<vmem>>
      %dma_start3A_147 = arith.constant 0 : i32
      %dma_start3A_148 = tpu.memref_slice %arg9[%add3A_92, %dma_start3A_147] : memref<16384x128xf32, #tpu.memory_space<hbm>> -> memref<128x128xf32, #tpu.memory_space<hbm>>
      %dma_start3A_149 = arith.constant 0 : i32
      %dma_start3A_150 = tpu.memref_slice %arg9[%add3A_92, %dma_start3A_149] : memref<16384x128xf32, #tpu.memory_space<hbm>> -> memref<128x128xf32, #tpu.memory_space<hbm>>
      %dma_start3A_151 = arith.constant 0 : i32
      %dma_start3A_152 = arith.constant 0 : i32
      %dma_start3A_153 = tpu.memref_slice %arg16[%and3A_89, %dma_start3A_151, %dma_start3A_152] : memref<2x128x128xf32, #tpu.memory_space<vmem>> -> memref<1x128x128xf32, #tpu.memory_space<vmem>>
      %dma_start3A_154 = tpu.memref_squeeze %dma_start3A_153 : memref<1x128x128xf32, #tpu.memory_space<vmem>> -> memref<128x128xf32, #tpu.memory_space<vmem>>
      tpu.enqueue_dma source(%dma_start3A_154 : memref<128x128xf32, #tpu.memory_space<vmem>>) target(%dma_start3A_150 : memref<128x128xf32, #tpu.memory_space<hbm>>) target_semaphore(%arg23 : memref<!tpu.dma_semaphore, #tpu.memory_space<semaphore_mem>>)
      %dma_start3A_155 = arith.constant 0 : i32
      %dma_start3A_156 = arith.constant 0 : i32
      %dma_start3A_157 = tpu.memref_slice %arg17[%and3A_89, %dma_start3A_155, %dma_start3A_156] : memref<2x128x128xf32, #tpu.memory_space<vmem>> -> memref<1x128x128xf32, #tpu.memory_space<vmem>>
      %dma_start3A_158 = tpu.memref_squeeze %dma_start3A_157 : memref<1x128x128xf32, #tpu.memory_space<vmem>> -> memref<128x128xf32, #tpu.memory_space<vmem>>
      %dma_start3A_159 = arith.constant 0 : i32
      %dma_start3A_160 = tpu.memref_slice %arg10[%add3A_92, %dma_start3A_159] : memref<16384x128xf32, #tpu.memory_space<hbm>> -> memref<128x128xf32, #tpu.memory_space<hbm>>
      %dma_start3A_161 = arith.constant 0 : i32
      %dma_start3A_162 = tpu.memref_slice %arg10[%add3A_92, %dma_start3A_161] : memref<16384x128xf32, #tpu.memory_space<hbm>> -> memref<128x128xf32, #tpu.memory_space<hbm>>
      %dma_start3A_163 = arith.constant 0 : i32
      %dma_start3A_164 = arith.constant 0 : i32
      %dma_start3A_165 = tpu.memref_slice %arg17[%and3A_89, %dma_start3A_163, %dma_start3A_164] : memref<2x128x128xf32, #tpu.memory_space<vmem>> -> memref<1x128x128xf32, #tpu.memory_space<vmem>>
      %dma_start3A_166 = tpu.memref_squeeze %dma_start3A_165 : memref<1x128x128xf32, #tpu.memory_space<vmem>> -> memref<128x128xf32, #tpu.memory_space<vmem>>
      tpu.enqueue_dma source(%dma_start3A_166 : memref<128x128xf32, #tpu.memory_space<vmem>>) target(%dma_start3A_162 : memref<128x128xf32, #tpu.memory_space<hbm>>) target_semaphore(%arg24 : memref<!tpu.dma_semaphore, #tpu.memory_space<semaphore_mem>>)
      %eq3A = arith.constant 0 : i32
      %eq3A_167 = arith.cmpi eq, %scan3A_87, %eq3A : i32
      %convert_element_type3A_168 = arith.extui %eq3A_167 : i1 to i32
      %cond3A_169 = arith.constant 0 : i32
      %cond3A_170 = arith.cmpi ne, %convert_element_type3A_168, %cond3A_169 : i32
      scf.if %cond3A_170 {
        %dma_wait3A_179 = arith.constant 0 : i32
        %dma_wait3A_180 = tpu.memref_slice %arg7[%dma_wait3A_179] : memref<100000xf32, #tpu.memory_space<hbm>> -> memref<512xf32, #tpu.memory_space<hbm>>
        %dma_wait3A_181 = arith.constant 0 : i32
        %dma_wait3A_182 = tpu.memref_slice %arg7[%dma_wait3A_181] : memref<100000xf32, #tpu.memory_space<hbm>> -> memref<512xf32, #tpu.memory_space<hbm>>
        tpu.wait_dma2 semaphore(%arg25 : memref<!tpu.dma_semaphore, #tpu.memory_space<semaphore_mem>>) src(%dma_wait3A_182 : memref<512xf32, #tpu.memory_space<hbm>>) dst(%arg14 : memref<512xf32, #tpu.memory_space<vmem>>)
        %dma_start3A_183 = tpu.memref_slice %arg11[%mul3A_2] : memref<16384xf32, #tpu.memory_space<hbm>> -> memref<512xf32, #tpu.memory_space<hbm>>
        %dma_start3A_184 = tpu.memref_slice %arg11[%mul3A_2] : memref<16384xf32, #tpu.memory_space<hbm>> -> memref<512xf32, #tpu.memory_space<hbm>>
        tpu.enqueue_dma source(%arg14 : memref<512xf32, #tpu.memory_space<vmem>>) target(%dma_start3A_184 : memref<512xf32, #tpu.memory_space<hbm>>) target_semaphore(%arg26 : memref<!tpu.dma_semaphore, #tpu.memory_space<semaphore_mem>>)
      } else {
      }
      %scan3A_171 = arith.constant 0 : i32
      %scan3A_172 = arith.constant 0 : i32
      %scan3A_173 = arith.constant 8 : i32
      %scan3A_174 = arith.addi %scan3A_172, %scan3A_173 : i32
      %scan3A_175 = arith.constant 1 : i32
      %scan3A_176 = scf.for %scan3A_179 = %scan3A_172 to %scan3A_174 step %scan3A_175 iter_args(%scan3A_180 = %scan3A_171) -> (i32)  : i32 {
        %scan3A_181 = arith.constant 0 : i32
        %scan3A_182 = arith.constant 0 : i32
        %scan3A_183 = arith.constant 4 : i32
        %scan3A_184 = arith.addi %scan3A_182, %scan3A_183 : i32
        %scan3A_185 = arith.constant 1 : i32
        %scan3A_186 = scf.for %scan3A_250 = %scan3A_182 to %scan3A_184 step %scan3A_185 iter_args(%scan3A_251 = %scan3A_181) -> (i32)  : i32 {
          %mul3A_252 = arith.constant 4 : i32
          %mul3A_253 = arith.muli %scan3A_250, %mul3A_252 : i32
          %add3A_254 = arith.constant 0 : i32
          %add3A_255 = arith.addi %mul3A_253, %add3A_254 : i32
          %mul3A_256 = arith.constant 16 : i32
          %mul3A_257 = arith.muli %scan3A_179, %mul3A_256 : i32
          %add3A_258 = arith.addi %mul3A_257, %add3A_255 : i32
          %get3A_259 = arith.index_cast %and3A_89 : i32 to index
          %get3A_260 = arith.index_cast %add3A_258 : i32 to index
          %get3A_261 = arith.constant 0 : index
          %get3A_262 = tpu.vector_load %arg16[%get3A_259, %get3A_260, %get3A_261] {strides = array<i32>} : memref<2x128x128xf32, #tpu.memory_space<vmem>>, vector<16xf32>,
          %get3A_263 = arith.index_cast %and3A_89 : i32 to index
          %get3A_264 = arith.index_cast %add3A_258 : i32 to index
          %get3A_265 = arith.constant 0 : index
          %get3A_266 = tpu.vector_load %arg17[%get3A_263, %get3A_264, %get3A_265] {strides = array<i32>} : memref<2x128x128xf32, #tpu.memory_space<vmem>>, vector<16xf32>,
          %mul3A_267 = arith.mulf %get3A_262, %get3A_266 : vector<16xf32>
          %get3A_268 = arith.index_cast %and3A_89 : i32 to index
          %get3A_269 = arith.index_cast %add3A_258 : i32 to index
          %get3A_270 = arith.constant 0 : index
          %get3A_271 = tpu.vector_load %arg18[%get3A_268, %get3A_269, %get3A_270] {strides = array<i32>} : memref<2x128x128xf32, #tpu.memory_space<vmem>>, vector<16xf32>,
          %mul3A_272 = arith.mulf %mul3A_267, %get3A_271 : vector<16xf32>
          %get3A_273 = arith.index_cast %and3A_89 : i32 to index
          %get3A_274 = arith.index_cast %add3A_258 : i32 to index
          %get3A_275 = arith.constant 16 : index
          %get3A_276 = tpu.vector_load %arg16[%get3A_273, %get3A_274, %get3A_275] {strides = array<i32>} : memref<2x128x128xf32, #tpu.memory_space<vmem>>, vector<16xf32>,
          %get3A_277 = arith.index_cast %and3A_89 : i32 to index
          %get3A_278 = arith.index_cast %add3A_258 : i32 to index
          %get3A_279 = arith.constant 16 : index
          %get3A_280 = tpu.vector_load %arg17[%get3A_277, %get3A_278, %get3A_279] {strides = array<i32>} : memref<2x128x128xf32, #tpu.memory_space<vmem>>, vector<16xf32>,
          %mul3A_281 = arith.mulf %get3A_276, %get3A_280 : vector<16xf32>
          %get3A_282 = arith.index_cast %and3A_89 : i32 to index
          %get3A_283 = arith.index_cast %add3A_258 : i32 to index
          %get3A_284 = arith.constant 16 : index
          %get3A_285 = tpu.vector_load %arg18[%get3A_282, %get3A_283, %get3A_284] {strides = array<i32>} : memref<2x128x128xf32, #tpu.memory_space<vmem>>, vector<16xf32>,
          %mul3A_286 = arith.mulf %mul3A_281, %get3A_285 : vector<16xf32>
          %add3A_287 = arith.addf %mul3A_272, %mul3A_286 : vector<16xf32>
          %get3A_288 = arith.index_cast %and3A_89 : i32 to index
          %get3A_289 = arith.index_cast %add3A_258 : i32 to index
          %get3A_290 = arith.constant 32 : index
          %get3A_291 = tpu.vector_load %arg16[%get3A_288, %get3A_289, %get3A_290] {strides = array<i32>} : memref<2x128x128xf32, #tpu.memory_space<vmem>>, vector<16xf32>,
          %get3A_292 = arith.index_cast %and3A_89 : i32 to index
          %get3A_293 = arith.index_cast %add3A_258 : i32 to index
          %get3A_294 = arith.constant 32 : index
          %get3A_295 = tpu.vector_load %arg17[%get3A_292, %get3A_293, %get3A_294] {strides = array<i32>} : memref<2x128x128xf32, #tpu.memory_space<vmem>>, vector<16xf32>,
          %mul3A_296 = arith.mulf %get3A_291, %get3A_295 : vector<16xf32>
          %get3A_297 = arith.index_cast %and3A_89 : i32 to index
          %get3A_298 = arith.index_cast %add3A_258 : i32 to index
          %get3A_299 = arith.constant 32 : index
          %get3A_300 = tpu.vector_load %arg18[%get3A_297, %get3A_298, %get3A_299] {strides = array<i32>} : memref<2x128x128xf32, #tpu.memory_space<vmem>>, vector<16xf32>,
          %mul3A_301 = arith.mulf %mul3A_296, %get3A_300 : vector<16xf32>
          %add3A_302 = arith.addf %add3A_287, %mul3A_301 : vector<16xf32>
          %get3A_303 = arith.index_cast %and3A_89 : i32 to index
          %get3A_304 = arith.index_cast %add3A_258 : i32 to index
          %get3A_305 = arith.constant 48 : index
          %get3A_306 = tpu.vector_load %arg16[%get3A_303, %get3A_304, %get3A_305] {strides = array<i32>} : memref<2x128x128xf32, #tpu.memory_space<vmem>>, vector<16xf32>,
          %get3A_307 = arith.index_cast %and3A_89 : i32 to index
          %get3A_308 = arith.index_cast %add3A_258 : i32 to index
          %get3A_309 = arith.constant 48 : index
          %get3A_310 = tpu.vector_load %arg17[%get3A_307, %get3A_308, %get3A_309] {strides = array<i32>} : memref<2x128x128xf32, #tpu.memory_space<vmem>>, vector<16xf32>,
          %mul3A_311 = arith.mulf %get3A_306, %get3A_310 : vector<16xf32>
          %get3A_312 = arith.index_cast %and3A_89 : i32 to index
          %get3A_313 = arith.index_cast %add3A_258 : i32 to index
          %get3A_314 = arith.constant 48 : index
          %get3A_315 = tpu.vector_load %arg18[%get3A_312, %get3A_313, %get3A_314] {strides = array<i32>} : memref<2x128x128xf32, #tpu.memory_space<vmem>>, vector<16xf32>,
          %mul3A_316 = arith.mulf %mul3A_311, %get3A_315 : vector<16xf32>
          %add3A_317 = arith.addf %add3A_302, %mul3A_316 : vector<16xf32>
          %get3A_318 = arith.index_cast %and3A_89 : i32 to index
          %get3A_319 = arith.index_cast %add3A_258 : i32 to index
          %get3A_320 = arith.constant 64 : index
          %get3A_321 = tpu.vector_load %arg16[%get3A_318, %get3A_319, %get3A_320] {strides = array<i32>} : memref<2x128x128xf32, #tpu.memory_space<vmem>>, vector<16xf32>,
          %get3A_322 = arith.index_cast %and3A_89 : i32 to index
          %get3A_323 = arith.index_cast %add3A_258 : i32 to index
          %get3A_324 = arith.constant 64 : index
          %get3A_325 = tpu.vector_load %arg17[%get3A_322, %get3A_323, %get3A_324] {strides = array<i32>} : memref<2x128x128xf32, #tpu.memory_space<vmem>>, vector<16xf32>,
          %mul3A_326 = arith.mulf %get3A_321, %get3A_325 : vector<16xf32>
          %get3A_327 = arith.index_cast %and3A_89 : i32 to index
          %get3A_328 = arith.index_cast %add3A_258 : i32 to index
          %get3A_329 = arith.constant 64 : index
          %get3A_330 = tpu.vector_load %arg18[%get3A_327, %get3A_328, %get3A_329] {strides = array<i32>} : memref<2x128x128xf32, #tpu.memory_space<vmem>>, vector<16xf32>,
          %mul3A_331 = arith.mulf %mul3A_326, %get3A_330 : vector<16xf32>
          %add3A_332 = arith.addf %add3A_317, %mul3A_331 : vector<16xf32>
          %get3A_333 = arith.index_cast %and3A_89 : i32 to index
          %get3A_334 = arith.index_cast %add3A_258 : i32 to index
          %get3A_335 = arith.constant 80 : index
          %get3A_336 = tpu.vector_load %arg16[%get3A_333, %get3A_334, %get3A_335] {strides = array<i32>} : memref<2x128x128xf32, #tpu.memory_space<vmem>>, vector<16xf32>,
          %get3A_337 = arith.index_cast %and3A_89 : i32 to index
          %get3A_338 = arith.index_cast %add3A_258 : i32 to index
          %get3A_339 = arith.constant 80 : index
          %get3A_340 = tpu.vector_load %arg17[%get3A_337, %get3A_338, %get3A_339] {strides = array<i32>} : memref<2x128x128xf32, #tpu.memory_space<vmem>>, vector<16xf32>,
          %mul3A_341 = arith.mulf %get3A_336, %get3A_340 : vector<16xf32>
          %get3A_342 = arith.index_cast %and3A_89 : i32 to index
          %get3A_343 = arith.index_cast %add3A_258 : i32 to index
          %get3A_344 = arith.constant 80 : index
          %get3A_345 = tpu.vector_load %arg18[%get3A_342, %get3A_343, %get3A_344] {strides = array<i32>} : memref<2x128x128xf32, #tpu.memory_space<vmem>>, vector<16xf32>,
          %mul3A_346 = arith.mulf %mul3A_341, %get3A_345 : vector<16xf32>
          %add3A_347 = arith.addf %add3A_332, %mul3A_346 : vector<16xf32>
          %get3A_348 = arith.index_cast %and3A_89 : i32 to index
          %get3A_349 = arith.index_cast %add3A_258 : i32 to index
          %get3A_350 = arith.constant 96 : index
          %get3A_351 = tpu.vector_load %arg16[%get3A_348, %get3A_349, %get3A_350] {strides = array<i32>} : memref<2x128x128xf32, #tpu.memory_space<vmem>>, vector<16xf32>,
          %get3A_352 = arith.index_cast %and3A_89 : i32 to index
          %get3A_353 = arith.index_cast %add3A_258 : i32 to index
          %get3A_354 = arith.constant 96 : index
          %get3A_355 = tpu.vector_load %arg17[%get3A_352, %get3A_353, %get3A_354] {strides = array<i32>} : memref<2x128x128xf32, #tpu.memory_space<vmem>>, vector<16xf32>,
          %mul3A_356 = arith.mulf %get3A_351, %get3A_355 : vector<16xf32>
          %get3A_357 = arith.index_cast %and3A_89 : i32 to index
          %get3A_358 = arith.index_cast %add3A_258 : i32 to index
          %get3A_359 = arith.constant 96 : index
          %get3A_360 = tpu.vector_load %arg18[%get3A_357, %get3A_358, %get3A_359] {strides = array<i32>} : memref<2x128x128xf32, #tpu.memory_space<vmem>>, vector<16xf32>,
          %mul3A_361 = arith.mulf %mul3A_356, %get3A_360 : vector<16xf32>
          %add3A_362 = arith.addf %add3A_347, %mul3A_361 : vector<16xf32>
          %get3A_363 = arith.index_cast %and3A_89 : i32 to index
          %get3A_364 = arith.index_cast %add3A_258 : i32 to index
          %get3A_365 = arith.constant 112 : index
          %get3A_366 = tpu.vector_load %arg16[%get3A_363, %get3A_364, %get3A_365] {strides = array<i32>} : memref<2x128x128xf32, #tpu.memory_space<vmem>>, vector<16xf32>,
          %get3A_367 = arith.index_cast %and3A_89 : i32 to index
          %get3A_368 = arith.index_cast %add3A_258 : i32 to index
          %get3A_369 = arith.constant 112 : index
          %get3A_370 = tpu.vector_load %arg17[%get3A_367, %get3A_368, %get3A_369] {strides = array<i32>} : memref<2x128x128xf32, #tpu.memory_space<vmem>>, vector<16xf32>,
          %mul3A_371 = arith.mulf %get3A_366, %get3A_370 : vector<16xf32>
          %get3A_372 = arith.index_cast %and3A_89 : i32 to index
          %get3A_373 = arith.index_cast %add3A_258 : i32 to index
          %get3A_374 = arith.constant 112 : index
          %get3A_375 = tpu.vector_load %arg18[%get3A_372, %get3A_373, %get3A_374] {strides = array<i32>} : memref<2x128x128xf32, #tpu.memory_space<vmem>>, vector<16xf32>,
          %mul3A_376 = arith.mulf %mul3A_371, %get3A_375 : vector<16xf32>
          %add3A_377 = arith.addf %add3A_362, %mul3A_376 : vector<16xf32>
          %add3A_378 = vector.broadcast %add3A_255 : i32 to vector<16xi32>
          %add3A_379 = arith.addi %mul3A_5, %add3A_378 : vector<16xi32>
          tpu.vector_store_idx %arg19[%add3A_379], %add3A_377 : memref<272xf32, #tpu.memory_space<vmem>>[vector<16xi32>], vector<16xf32>,
          %mul3A_380 = arith.constant 4 : i32
          %mul3A_381 = arith.muli %scan3A_250, %mul3A_380 : i32
          %add3A_382 = arith.constant 1 : i32
          %add3A_383 = arith.addi %mul3A_381, %add3A_382 : i32
          %mul3A_384 = arith.constant 16 : i32
          %mul3A_385 = arith.muli %scan3A_179, %mul3A_384 : i32
          %add3A_386 = arith.addi %mul3A_385, %add3A_383 : i32
          %get3A_387 = arith.index_cast %and3A_89 : i32 to index
          %get3A_388 = arith.index_cast %add3A_386 : i32 to index
          %get3A_389 = arith.constant 0 : index
          %get3A_390 = tpu.vector_load %arg16[%get3A_387, %get3A_388, %get3A_389] {strides = array<i32>} : memref<2x128x128xf32, #tpu.memory_space<vmem>>, vector<16xf32>,
          %get3A_391 = arith.index_cast %and3A_89 : i32 to index
          %get3A_392 = arith.index_cast %add3A_386 : i32 to index
          %get3A_393 = arith.constant 0 : index
          %get3A_394 = tpu.vector_load %arg17[%get3A_391, %get3A_392, %get3A_393] {strides = array<i32>} : memref<2x128x128xf32, #tpu.memory_space<vmem>>, vector<16xf32>,
          %mul3A_395 = arith.mulf %get3A_390, %get3A_394 : vector<16xf32>
          %get3A_396 = arith.index_cast %and3A_89 : i32 to index
          %get3A_397 = arith.index_cast %add3A_386 : i32 to index
          %get3A_398 = arith.constant 0 : index
          %get3A_399 = tpu.vector_load %arg18[%get3A_396, %get3A_397, %get3A_398] {strides = array<i32>} : memref<2x128x128xf32, #tpu.memory_space<vmem>>, vector<16xf32>,
          %mul3A_400 = arith.mulf %mul3A_395, %get3A_399 : vector<16xf32>
          %get3A_401 = arith.index_cast %and3A_89 : i32 to index
          %get3A_402 = arith.index_cast %add3A_386 : i32 to index
          %get3A_403 = arith.constant 16 : index
          %get3A_404 = tpu.vector_load %arg16[%get3A_401, %get3A_402, %get3A_403] {strides = array<i32>} : memref<2x128x128xf32, #tpu.memory_space<vmem>>, vector<16xf32>,
          %get3A_405 = arith.index_cast %and3A_89 : i32 to index
          %get3A_406 = arith.index_cast %add3A_386 : i32 to index
          %get3A_407 = arith.constant 16 : index
          %get3A_408 = tpu.vector_load %arg17[%get3A_405, %get3A_406, %get3A_407] {strides = array<i32>} : memref<2x128x128xf32, #tpu.memory_space<vmem>>, vector<16xf32>,
          %mul3A_409 = arith.mulf %get3A_404, %get3A_408 : vector<16xf32>
          %get3A_410 = arith.index_cast %and3A_89 : i32 to index
          %get3A_411 = arith.index_cast %add3A_386 : i32 to index
          %get3A_412 = arith.constant 16 : index
          %get3A_413 = tpu.vector_load %arg18[%get3A_410, %get3A_411, %get3A_412] {strides = array<i32>} : memref<2x128x128xf32, #tpu.memory_space<vmem>>, vector<16xf32>,
          %mul3A_414 = arith.mulf %mul3A_409, %get3A_413 : vector<16xf32>
          %add3A_415 = arith.addf %mul3A_400, %mul3A_414 : vector<16xf32>
          %get3A_416 = arith.index_cast %and3A_89 : i32 to index
          %get3A_417 = arith.index_cast %add3A_386 : i32 to index
          %get3A_418 = arith.constant 32 : index
          %get3A_419 = tpu.vector_load %arg16[%get3A_416, %get3A_417, %get3A_418] {strides = array<i32>} : memref<2x128x128xf32, #tpu.memory_space<vmem>>, vector<16xf32>,
          %get3A_420 = arith.index_cast %and3A_89 : i32 to index
          %get3A_421 = arith.index_cast %add3A_386 : i32 to index
          %get3A_422 = arith.constant 32 : index
          %get3A_423 = tpu.vector_load %arg17[%get3A_420, %get3A_421, %get3A_422] {strides = array<i32>} : memref<2x128x128xf32, #tpu.memory_space<vmem>>, vector<16xf32>,
          %mul3A_424 = arith.mulf %get3A_419, %get3A_423 : vector<16xf32>
          %get3A_425 = arith.index_cast %and3A_89 : i32 to index
          %get3A_426 = arith.index_cast %add3A_386 : i32 to index
          %get3A_427 = arith.constant 32 : index
          %get3A_428 = tpu.vector_load %arg18[%get3A_425, %get3A_426, %get3A_427] {strides = array<i32>} : memref<2x128x128xf32, #tpu.memory_space<vmem>>, vector<16xf32>,
          %mul3A_429 = arith.mulf %mul3A_424, %get3A_428 : vector<16xf32>
          %add3A_430 = arith.addf %add3A_415, %mul3A_429 : vector<16xf32>
          %get3A_431 = arith.index_cast %and3A_89 : i32 to index
          %get3A_432 = arith.index_cast %add3A_386 : i32 to index
          %get3A_433 = arith.constant 48 : index
          %get3A_434 = tpu.vector_load %arg16[%get3A_431, %get3A_432, %get3A_433] {strides = array<i32>} : memref<2x128x128xf32, #tpu.memory_space<vmem>>, vector<16xf32>,
          %get3A_435 = arith.index_cast %and3A_89 : i32 to index
          %get3A_436 = arith.index_cast %add3A_386 : i32 to index
          %get3A_437 = arith.constant 48 : index
          %get3A_438 = tpu.vector_load %arg17[%get3A_435, %get3A_436, %get3A_437] {strides = array<i32>} : memref<2x128x128xf32, #tpu.memory_space<vmem>>, vector<16xf32>,
          %mul3A_439 = arith.mulf %get3A_434, %get3A_438 : vector<16xf32>
          %get3A_440 = arith.index_cast %and3A_89 : i32 to index
          %get3A_441 = arith.index_cast %add3A_386 : i32 to index
          %get3A_442 = arith.constant 48 : index
          %get3A_443 = tpu.vector_load %arg18[%get3A_440, %get3A_441, %get3A_442] {strides = array<i32>} : memref<2x128x128xf32, #tpu.memory_space<vmem>>, vector<16xf32>,
          %mul3A_444 = arith.mulf %mul3A_439, %get3A_443 : vector<16xf32>
          %add3A_445 = arith.addf %add3A_430, %mul3A_444 : vector<16xf32>
          %get3A_446 = arith.index_cast %and3A_89 : i32 to index
          %get3A_447 = arith.index_cast %add3A_386 : i32 to index
          %get3A_448 = arith.constant 64 : index
          %get3A_449 = tpu.vector_load %arg16[%get3A_446, %get3A_447, %get3A_448] {strides = array<i32>} : memref<2x128x128xf32, #tpu.memory_space<vmem>>, vector<16xf32>,
          %get3A_450 = arith.index_cast %and3A_89 : i32 to index
          %get3A_451 = arith.index_cast %add3A_386 : i32 to index
          %get3A_452 = arith.constant 64 : index
          %get3A_453 = tpu.vector_load %arg17[%get3A_450, %get3A_451, %get3A_452] {strides = array<i32>} : memref<2x128x128xf32, #tpu.memory_space<vmem>>, vector<16xf32>,
          %mul3A_454 = arith.mulf %get3A_449, %get3A_453 : vector<16xf32>
          %get3A_455 = arith.index_cast %and3A_89 : i32 to index
          %get3A_456 = arith.index_cast %add3A_386 : i32 to index
          %get3A_457 = arith.constant 64 : index
          %get3A_458 = tpu.vector_load %arg18[%get3A_455, %get3A_456, %get3A_457] {strides = array<i32>} : memref<2x128x128xf32, #tpu.memory_space<vmem>>, vector<16xf32>,
          %mul3A_459 = arith.mulf %mul3A_454, %get3A_458 : vector<16xf32>
          %add3A_460 = arith.addf %add3A_445, %mul3A_459 : vector<16xf32>
          %get3A_461 = arith.index_cast %and3A_89 : i32 to index
          %get3A_462 = arith.index_cast %add3A_386 : i32 to index
          %get3A_463 = arith.constant 80 : index
          %get3A_464 = tpu.vector_load %arg16[%get3A_461, %get3A_462, %get3A_463] {strides = array<i32>} : memref<2x128x128xf32, #tpu.memory_space<vmem>>, vector<16xf32>,
          %get3A_465 = arith.index_cast %and3A_89 : i32 to index
          %get3A_466 = arith.index_cast %add3A_386 : i32 to index
          %get3A_467 = arith.constant 80 : index
          %get3A_468 = tpu.vector_load %arg17[%get3A_465, %get3A_466, %get3A_467] {strides = array<i32>} : memref<2x128x128xf32, #tpu.memory_space<vmem>>, vector<16xf32>,
          %mul3A_469 = arith.mulf %get3A_464, %get3A_468 : vector<16xf32>
          %get3A_470 = arith.index_cast %and3A_89 : i32 to index
          %get3A_471 = arith.index_cast %add3A_386 : i32 to index
          %get3A_472 = arith.constant 80 : index
          %get3A_473 = tpu.vector_load %arg18[%get3A_470, %get3A_471, %get3A_472] {strides = array<i32>} : memref<2x128x128xf32, #tpu.memory_space<vmem>>, vector<16xf32>,
          %mul3A_474 = arith.mulf %mul3A_469, %get3A_473 : vector<16xf32>
          %add3A_475 = arith.addf %add3A_460, %mul3A_474 : vector<16xf32>
          %get3A_476 = arith.index_cast %and3A_89 : i32 to index
          %get3A_477 = arith.index_cast %add3A_386 : i32 to index
          %get3A_478 = arith.constant 96 : index
          %get3A_479 = tpu.vector_load %arg16[%get3A_476, %get3A_477, %get3A_478] {strides = array<i32>} : memref<2x128x128xf32, #tpu.memory_space<vmem>>, vector<16xf32>,
          %get3A_480 = arith.index_cast %and3A_89 : i32 to index
          %get3A_481 = arith.index_cast %add3A_386 : i32 to index
          %get3A_482 = arith.constant 96 : index
          %get3A_483 = tpu.vector_load %arg17[%get3A_480, %get3A_481, %get3A_482] {strides = array<i32>} : memref<2x128x128xf32, #tpu.memory_space<vmem>>, vector<16xf32>,
          %mul3A_484 = arith.mulf %get3A_479, %get3A_483 : vector<16xf32>
          %get3A_485 = arith.index_cast %and3A_89 : i32 to index
          %get3A_486 = arith.index_cast %add3A_386 : i32 to index
          %get3A_487 = arith.constant 96 : index
          %get3A_488 = tpu.vector_load %arg18[%get3A_485, %get3A_486, %get3A_487] {strides = array<i32>} : memref<2x128x128xf32, #tpu.memory_space<vmem>>, vector<16xf32>,
          %mul3A_489 = arith.mulf %mul3A_484, %get3A_488 : vector<16xf32>
          %add3A_490 = arith.addf %add3A_475, %mul3A_489 : vector<16xf32>
          %get3A_491 = arith.index_cast %and3A_89 : i32 to index
          %get3A_492 = arith.index_cast %add3A_386 : i32 to index
          %get3A_493 = arith.constant 112 : index
          %get3A_494 = tpu.vector_load %arg16[%get3A_491, %get3A_492, %get3A_493] {strides = array<i32>} : memref<2x128x128xf32, #tpu.memory_space<vmem>>, vector<16xf32>,
          %get3A_495 = arith.index_cast %and3A_89 : i32 to index
          %get3A_496 = arith.index_cast %add3A_386 : i32 to index
          %get3A_497 = arith.constant 112 : index
          %get3A_498 = tpu.vector_load %arg17[%get3A_495, %get3A_496, %get3A_497] {strides = array<i32>} : memref<2x128x128xf32, #tpu.memory_space<vmem>>, vector<16xf32>,
          %mul3A_499 = arith.mulf %get3A_494, %get3A_498 : vector<16xf32>
          %get3A_500 = arith.index_cast %and3A_89 : i32 to index
          %get3A_501 = arith.index_cast %add3A_386 : i32 to index
          %get3A_502 = arith.constant 112 : index
          %get3A_503 = tpu.vector_load %arg18[%get3A_500, %get3A_501, %get3A_502] {strides = array<i32>} : memref<2x128x128xf32, #tpu.memory_space<vmem>>, vector<16xf32>,
          %mul3A_504 = arith.mulf %mul3A_499, %get3A_503 : vector<16xf32>
          %add3A_505 = arith.addf %add3A_490, %mul3A_504 : vector<16xf32>
          %add3A_506 = vector.broadcast %add3A_383 : i32 to vector<16xi32>
          %add3A_507 = arith.addi %mul3A_5, %add3A_506 : vector<16xi32>
          tpu.vector_store_idx %arg19[%add3A_507], %add3A_505 : memref<272xf32, #tpu.memory_space<vmem>>[vector<16xi32>], vector<16xf32>,
          %mul3A_508 = arith.constant 4 : i32
          %mul3A_509 = arith.muli %scan3A_250, %mul3A_508 : i32
          %add3A_510 = arith.constant 2 : i32
          %add3A_511 = arith.addi %mul3A_509, %add3A_510 : i32
          %mul3A_512 = arith.constant 16 : i32
          %mul3A_513 = arith.muli %scan3A_179, %mul3A_512 : i32
          %add3A_514 = arith.addi %mul3A_513, %add3A_511 : i32
          %get3A_515 = arith.index_cast %and3A_89 : i32 to index
          %get3A_516 = arith.index_cast %add3A_514 : i32 to index
          %get3A_517 = arith.constant 0 : index
          %get3A_518 = tpu.vector_load %arg16[%get3A_515, %get3A_516, %get3A_517] {strides = array<i32>} : memref<2x128x128xf32, #tpu.memory_space<vmem>>, vector<16xf32>,
          %get3A_519 = arith.index_cast %and3A_89 : i32 to index
          %get3A_520 = arith.index_cast %add3A_514 : i32 to index
          %get3A_521 = arith.constant 0 : index
          %get3A_522 = tpu.vector_load %arg17[%get3A_519, %get3A_520, %get3A_521] {strides = array<i32>} : memref<2x128x128xf32, #tpu.memory_space<vmem>>, vector<16xf32>,
          %mul3A_523 = arith.mulf %get3A_518, %get3A_522 : vector<16xf32>
          %get3A_524 = arith.index_cast %and3A_89 : i32 to index
          %get3A_525 = arith.index_cast %add3A_514 : i32 to index
          %get3A_526 = arith.constant 0 : index
          %get3A_527 = tpu.vector_load %arg18[%get3A_524, %get3A_525, %get3A_526] {strides = array<i32>} : memref<2x128x128xf32, #tpu.memory_space<vmem>>, vector<16xf32>,
          %mul3A_528 = arith.mulf %mul3A_523, %get3A_527 : vector<16xf32>
          %get3A_529 = arith.index_cast %and3A_89 : i32 to index
          %get3A_530 = arith.index_cast %add3A_514 : i32 to index
          %get3A_531 = arith.constant 16 : index
          %get3A_532 = tpu.vector_load %arg16[%get3A_529, %get3A_530, %get3A_531] {strides = array<i32>} : memref<2x128x128xf32, #tpu.memory_space<vmem>>, vector<16xf32>,
          %get3A_533 = arith.index_cast %and3A_89 : i32 to index
          %get3A_534 = arith.index_cast %add3A_514 : i32 to index
          %get3A_535 = arith.constant 16 : index
          %get3A_536 = tpu.vector_load %arg17[%get3A_533, %get3A_534, %get3A_535] {strides = array<i32>} : memref<2x128x128xf32, #tpu.memory_space<vmem>>, vector<16xf32>,
          %mul3A_537 = arith.mulf %get3A_532, %get3A_536 : vector<16xf32>
          %get3A_538 = arith.index_cast %and3A_89 : i32 to index
          %get3A_539 = arith.index_cast %add3A_514 : i32 to index
          %get3A_540 = arith.constant 16 : index
          %get3A_541 = tpu.vector_load %arg18[%get3A_538, %get3A_539, %get3A_540] {strides = array<i32>} : memref<2x128x128xf32, #tpu.memory_space<vmem>>, vector<16xf32>,
          %mul3A_542 = arith.mulf %mul3A_537, %get3A_541 : vector<16xf32>
          %add3A_543 = arith.addf %mul3A_528, %mul3A_542 : vector<16xf32>
          %get3A_544 = arith.index_cast %and3A_89 : i32 to index
          %get3A_545 = arith.index_cast %add3A_514 : i32 to index
          %get3A_546 = arith.constant 32 : index
          %get3A_547 = tpu.vector_load %arg16[%get3A_544, %get3A_545, %get3A_546] {strides = array<i32>} : memref<2x128x128xf32, #tpu.memory_space<vmem>>, vector<16xf32>,
          %get3A_548 = arith.index_cast %and3A_89 : i32 to index
          %get3A_549 = arith.index_cast %add3A_514 : i32 to index
          %get3A_550 = arith.constant 32 : index
          %get3A_551 = tpu.vector_load %arg17[%get3A_548, %get3A_549, %get3A_550] {strides = array<i32>} : memref<2x128x128xf32, #tpu.memory_space<vmem>>, vector<16xf32>,
          %mul3A_552 = arith.mulf %get3A_547, %get3A_551 : vector<16xf32>
          %get3A_553 = arith.index_cast %and3A_89 : i32 to index
          %get3A_554 = arith.index_cast %add3A_514 : i32 to index
          %get3A_555 = arith.constant 32 : index
          %get3A_556 = tpu.vector_load %arg18[%get3A_553, %get3A_554, %get3A_555] {strides = array<i32>} : memref<2x128x128xf32, #tpu.memory_space<vmem>>, vector<16xf32>,
          %mul3A_557 = arith.mulf %mul3A_552, %get3A_556 : vector<16xf32>
          %add3A_558 = arith.addf %add3A_543, %mul3A_557 : vector<16xf32>
          %get3A_559 = arith.index_cast %and3A_89 : i32 to index
          %get3A_560 = arith.index_cast %add3A_514 : i32 to index
          %get3A_561 = arith.constant 48 : index
          %get3A_562 = tpu.vector_load %arg16[%get3A_559, %get3A_560, %get3A_561] {strides = array<i32>} : memref<2x128x128xf32, #tpu.memory_space<vmem>>, vector<16xf32>,
          %get3A_563 = arith.index_cast %and3A_89 : i32 to index
          %get3A_564 = arith.index_cast %add3A_514 : i32 to index
          %get3A_565 = arith.constant 48 : index
          %get3A_566 = tpu.vector_load %arg17[%get3A_563, %get3A_564, %get3A_565] {strides = array<i32>} : memref<2x128x128xf32, #tpu.memory_space<vmem>>, vector<16xf32>,
          %mul3A_567 = arith.mulf %get3A_562, %get3A_566 : vector<16xf32>
          %get3A_568 = arith.index_cast %and3A_89 : i32 to index
          %get3A_569 = arith.index_cast %add3A_514 : i32 to index
          %get3A_570 = arith.constant 48 : index
          %get3A_571 = tpu.vector_load %arg18[%get3A_568, %get3A_569, %get3A_570] {strides = array<i32>} : memref<2x128x128xf32, #tpu.memory_space<vmem>>, vector<16xf32>,
          %mul3A_572 = arith.mulf %mul3A_567, %get3A_571 : vector<16xf32>
          %add3A_573 = arith.addf %add3A_558, %mul3A_572 : vector<16xf32>
          %get3A_574 = arith.index_cast %and3A_89 : i32 to index
          %get3A_575 = arith.index_cast %add3A_514 : i32 to index
          %get3A_576 = arith.constant 64 : index
          %get3A_577 = tpu.vector_load %arg16[%get3A_574, %get3A_575, %get3A_576] {strides = array<i32>} : memref<2x128x128xf32, #tpu.memory_space<vmem>>, vector<16xf32>,
          %get3A_578 = arith.index_cast %and3A_89 : i32 to index
          %get3A_579 = arith.index_cast %add3A_514 : i32 to index
          %get3A_580 = arith.constant 64 : index
          %get3A_581 = tpu.vector_load %arg17[%get3A_578, %get3A_579, %get3A_580] {strides = array<i32>} : memref<2x128x128xf32, #tpu.memory_space<vmem>>, vector<16xf32>,
          %mul3A_582 = arith.mulf %get3A_577, %get3A_581 : vector<16xf32>
          %get3A_583 = arith.index_cast %and3A_89 : i32 to index
          %get3A_584 = arith.index_cast %add3A_514 : i32 to index
          %get3A_585 = arith.constant 64 : index
          %get3A_586 = tpu.vector_load %arg18[%get3A_583, %get3A_584, %get3A_585] {strides = array<i32>} : memref<2x128x128xf32, #tpu.memory_space<vmem>>, vector<16xf32>,
          %mul3A_587 = arith.mulf %mul3A_582, %get3A_586 : vector<16xf32>
          %add3A_588 = arith.addf %add3A_573, %mul3A_587 : vector<16xf32>
          %get3A_589 = arith.index_cast %and3A_89 : i32 to index
          %get3A_590 = arith.index_cast %add3A_514 : i32 to index
          %get3A_591 = arith.constant 80 : index
          %get3A_592 = tpu.vector_load %arg16[%get3A_589, %get3A_590, %get3A_591] {strides = array<i32>} : memref<2x128x128xf32, #tpu.memory_space<vmem>>, vector<16xf32>,
          %get3A_593 = arith.index_cast %and3A_89 : i32 to index
          %get3A_594 = arith.index_cast %add3A_514 : i32 to index
          %get3A_595 = arith.constant 80 : index
          %get3A_596 = tpu.vector_load %arg17[%get3A_593, %get3A_594, %get3A_595] {strides = array<i32>} : memref<2x128x128xf32, #tpu.memory_space<vmem>>, vector<16xf32>,
          %mul3A_597 = arith.mulf %get3A_592, %get3A_596 : vector<16xf32>
          %get3A_598 = arith.index_cast %and3A_89 : i32 to index
          %get3A_599 = arith.index_cast %add3A_514 : i32 to index
          %get3A_600 = arith.constant 80 : index
          %get3A_601 = tpu.vector_load %arg18[%get3A_598, %get3A_599, %get3A_600] {strides = array<i32>} : memref<2x128x128xf32, #tpu.memory_space<vmem>>, vector<16xf32>,
          %mul3A_602 = arith.mulf %mul3A_597, %get3A_601 : vector<16xf32>
          %add3A_603 = arith.addf %add3A_588, %mul3A_602 : vector<16xf32>
          %get3A_604 = arith.index_cast %and3A_89 : i32 to index
          %get3A_605 = arith.index_cast %add3A_514 : i32 to index
          %get3A_606 = arith.constant 96 : index
          %get3A_607 = tpu.vector_load %arg16[%get3A_604, %get3A_605, %get3A_606] {strides = array<i32>} : memref<2x128x128xf32, #tpu.memory_space<vmem>>, vector<16xf32>,
          %get3A_608 = arith.index_cast %and3A_89 : i32 to index
          %get3A_609 = arith.index_cast %add3A_514 : i32 to index
          %get3A_610 = arith.constant 96 : index
          %get3A_611 = tpu.vector_load %arg17[%get3A_608, %get3A_609, %get3A_610] {strides = array<i32>} : memref<2x128x128xf32, #tpu.memory_space<vmem>>, vector<16xf32>,
          %mul3A_612 = arith.mulf %get3A_607, %get3A_611 : vector<16xf32>
          %get3A_613 = arith.index_cast %and3A_89 : i32 to index
          %get3A_614 = arith.index_cast %add3A_514 : i32 to index
          %get3A_615 = arith.constant 96 : index
          %get3A_616 = tpu.vector_load %arg18[%get3A_613, %get3A_614, %get3A_615] {strides = array<i32>} : memref<2x128x128xf32, #tpu.memory_space<vmem>>, vector<16xf32>,
          %mul3A_617 = arith.mulf %mul3A_612, %get3A_616 : vector<16xf32>
          %add3A_618 = arith.addf %add3A_603, %mul3A_617 : vector<16xf32>
          %get3A_619 = arith.index_cast %and3A_89 : i32 to index
          %get3A_620 = arith.index_cast %add3A_514 : i32 to index
          %get3A_621 = arith.constant 112 : index
          %get3A_622 = tpu.vector_load %arg16[%get3A_619, %get3A_620, %get3A_621] {strides = array<i32>} : memref<2x128x128xf32, #tpu.memory_space<vmem>>, vector<16xf32>,
          %get3A_623 = arith.index_cast %and3A_89 : i32 to index
          %get3A_624 = arith.index_cast %add3A_514 : i32 to index
          %get3A_625 = arith.constant 112 : index
          %get3A_626 = tpu.vector_load %arg17[%get3A_623, %get3A_624, %get3A_625] {strides = array<i32>} : memref<2x128x128xf32, #tpu.memory_space<vmem>>, vector<16xf32>,
          %mul3A_627 = arith.mulf %get3A_622, %get3A_626 : vector<16xf32>
          %get3A_628 = arith.index_cast %and3A_89 : i32 to index
          %get3A_629 = arith.index_cast %add3A_514 : i32 to index
          %get3A_630 = arith.constant 112 : index
          %get3A_631 = tpu.vector_load %arg18[%get3A_628, %get3A_629, %get3A_630] {strides = array<i32>} : memref<2x128x128xf32, #tpu.memory_space<vmem>>, vector<16xf32>,
          %mul3A_632 = arith.mulf %mul3A_627, %get3A_631 : vector<16xf32>
          %add3A_633 = arith.addf %add3A_618, %mul3A_632 : vector<16xf32>
          %add3A_634 = vector.broadcast %add3A_511 : i32 to vector<16xi32>
          %add3A_635 = arith.addi %mul3A_5, %add3A_634 : vector<16xi32>
          tpu.vector_store_idx %arg19[%add3A_635], %add3A_633 : memref<272xf32, #tpu.memory_space<vmem>>[vector<16xi32>], vector<16xf32>,
          %mul3A_636 = arith.constant 4 : i32
          %mul3A_637 = arith.muli %scan3A_250, %mul3A_636 : i32
          %add3A_638 = arith.constant 3 : i32
          %add3A_639 = arith.addi %mul3A_637, %add3A_638 : i32
          %mul3A_640 = arith.constant 16 : i32
          %mul3A_641 = arith.muli %scan3A_179, %mul3A_640 : i32
          %add3A_642 = arith.addi %mul3A_641, %add3A_639 : i32
          %get3A_643 = arith.index_cast %and3A_89 : i32 to index
          %get3A_644 = arith.index_cast %add3A_642 : i32 to index
          %get3A_645 = arith.constant 0 : index
          %get3A_646 = tpu.vector_load %arg16[%get3A_643, %get3A_644, %get3A_645] {strides = array<i32>} : memref<2x128x128xf32, #tpu.memory_space<vmem>>, vector<16xf32>,
          %get3A_647 = arith.index_cast %and3A_89 : i32 to index
          %get3A_648 = arith.index_cast %add3A_642 : i32 to index
          %get3A_649 = arith.constant 0 : index
          %get3A_650 = tpu.vector_load %arg17[%get3A_647, %get3A_648, %get3A_649] {strides = array<i32>} : memref<2x128x128xf32, #tpu.memory_space<vmem>>, vector<16xf32>,
          %mul3A_651 = arith.mulf %get3A_646, %get3A_650 : vector<16xf32>
          %get3A_652 = arith.index_cast %and3A_89 : i32 to index
          %get3A_653 = arith.index_cast %add3A_642 : i32 to index
          %get3A_654 = arith.constant 0 : index
          %get3A_655 = tpu.vector_load %arg18[%get3A_652, %get3A_653, %get3A_654] {strides = array<i32>} : memref<2x128x128xf32, #tpu.memory_space<vmem>>, vector<16xf32>,
          %mul3A_656 = arith.mulf %mul3A_651, %get3A_655 : vector<16xf32>
          %get3A_657 = arith.index_cast %and3A_89 : i32 to index
          %get3A_658 = arith.index_cast %add3A_642 : i32 to index
          %get3A_659 = arith.constant 16 : index
          %get3A_660 = tpu.vector_load %arg16[%get3A_657, %get3A_658, %get3A_659] {strides = array<i32>} : memref<2x128x128xf32, #tpu.memory_space<vmem>>, vector<16xf32>,
          %get3A_661 = arith.index_cast %and3A_89 : i32 to index
          %get3A_662 = arith.index_cast %add3A_642 : i32 to index
          %get3A_663 = arith.constant 16 : index
          %get3A_664 = tpu.vector_load %arg17[%get3A_661, %get3A_662, %get3A_663] {strides = array<i32>} : memref<2x128x128xf32, #tpu.memory_space<vmem>>, vector<16xf32>,
          %mul3A_665 = arith.mulf %get3A_660, %get3A_664 : vector<16xf32>
          %get3A_666 = arith.index_cast %and3A_89 : i32 to index
          %get3A_667 = arith.index_cast %add3A_642 : i32 to index
          %get3A_668 = arith.constant 16 : index
          %get3A_669 = tpu.vector_load %arg18[%get3A_666, %get3A_667, %get3A_668] {strides = array<i32>} : memref<2x128x128xf32, #tpu.memory_space<vmem>>, vector<16xf32>,
          %mul3A_670 = arith.mulf %mul3A_665, %get3A_669 : vector<16xf32>
          %add3A_671 = arith.addf %mul3A_656, %mul3A_670 : vector<16xf32>
          %get3A_672 = arith.index_cast %and3A_89 : i32 to index
          %get3A_673 = arith.index_cast %add3A_642 : i32 to index
          %get3A_674 = arith.constant 32 : index
          %get3A_675 = tpu.vector_load %arg16[%get3A_672, %get3A_673, %get3A_674] {strides = array<i32>} : memref<2x128x128xf32, #tpu.memory_space<vmem>>, vector<16xf32>,
          %get3A_676 = arith.index_cast %and3A_89 : i32 to index
          %get3A_677 = arith.index_cast %add3A_642 : i32 to index
          %get3A_678 = arith.constant 32 : index
          %get3A_679 = tpu.vector_load %arg17[%get3A_676, %get3A_677, %get3A_678] {strides = array<i32>} : memref<2x128x128xf32, #tpu.memory_space<vmem>>, vector<16xf32>,
          %mul3A_680 = arith.mulf %get3A_675, %get3A_679 : vector<16xf32>
          %get3A_681 = arith.index_cast %and3A_89 : i32 to index
          %get3A_682 = arith.index_cast %add3A_642 : i32 to index
          %get3A_683 = arith.constant 32 : index
          %get3A_684 = tpu.vector_load %arg18[%get3A_681, %get3A_682, %get3A_683] {strides = array<i32>} : memref<2x128x128xf32, #tpu.memory_space<vmem>>, vector<16xf32>,
          %mul3A_685 = arith.mulf %mul3A_680, %get3A_684 : vector<16xf32>
          %add3A_686 = arith.addf %add3A_671, %mul3A_685 : vector<16xf32>
          %get3A_687 = arith.index_cast %and3A_89 : i32 to index
          %get3A_688 = arith.index_cast %add3A_642 : i32 to index
          %get3A_689 = arith.constant 48 : index
          %get3A_690 = tpu.vector_load %arg16[%get3A_687, %get3A_688, %get3A_689] {strides = array<i32>} : memref<2x128x128xf32, #tpu.memory_space<vmem>>, vector<16xf32>,
          %get3A_691 = arith.index_cast %and3A_89 : i32 to index
          %get3A_692 = arith.index_cast %add3A_642 : i32 to index
          %get3A_693 = arith.constant 48 : index
          %get3A_694 = tpu.vector_load %arg17[%get3A_691, %get3A_692, %get3A_693] {strides = array<i32>} : memref<2x128x128xf32, #tpu.memory_space<vmem>>, vector<16xf32>,
          %mul3A_695 = arith.mulf %get3A_690, %get3A_694 : vector<16xf32>
          %get3A_696 = arith.index_cast %and3A_89 : i32 to index
          %get3A_697 = arith.index_cast %add3A_642 : i32 to index
          %get3A_698 = arith.constant 48 : index
          %get3A_699 = tpu.vector_load %arg18[%get3A_696, %get3A_697, %get3A_698] {strides = array<i32>} : memref<2x128x128xf32, #tpu.memory_space<vmem>>, vector<16xf32>,
          %mul3A_700 = arith.mulf %mul3A_695, %get3A_699 : vector<16xf32>
          %add3A_701 = arith.addf %add3A_686, %mul3A_700 : vector<16xf32>
          %get3A_702 = arith.index_cast %and3A_89 : i32 to index
          %get3A_703 = arith.index_cast %add3A_642 : i32 to index
          %get3A_704 = arith.constant 64 : index
          %get3A_705 = tpu.vector_load %arg16[%get3A_702, %get3A_703, %get3A_704] {strides = array<i32>} : memref<2x128x128xf32, #tpu.memory_space<vmem>>, vector<16xf32>,
          %get3A_706 = arith.index_cast %and3A_89 : i32 to index
          %get3A_707 = arith.index_cast %add3A_642 : i32 to index
          %get3A_708 = arith.constant 64 : index
          %get3A_709 = tpu.vector_load %arg17[%get3A_706, %get3A_707, %get3A_708] {strides = array<i32>} : memref<2x128x128xf32, #tpu.memory_space<vmem>>, vector<16xf32>,
          %mul3A_710 = arith.mulf %get3A_705, %get3A_709 : vector<16xf32>
          %get3A_711 = arith.index_cast %and3A_89 : i32 to index
          %get3A_712 = arith.index_cast %add3A_642 : i32 to index
          %get3A_713 = arith.constant 64 : index
          %get3A_714 = tpu.vector_load %arg18[%get3A_711, %get3A_712, %get3A_713] {strides = array<i32>} : memref<2x128x128xf32, #tpu.memory_space<vmem>>, vector<16xf32>,
          %mul3A_715 = arith.mulf %mul3A_710, %get3A_714 : vector<16xf32>
          %add3A_716 = arith.addf %add3A_701, %mul3A_715 : vector<16xf32>
          %get3A_717 = arith.index_cast %and3A_89 : i32 to index
          %get3A_718 = arith.index_cast %add3A_642 : i32 to index
          %get3A_719 = arith.constant 80 : index
          %get3A_720 = tpu.vector_load %arg16[%get3A_717, %get3A_718, %get3A_719] {strides = array<i32>} : memref<2x128x128xf32, #tpu.memory_space<vmem>>, vector<16xf32>,
          %get3A_721 = arith.index_cast %and3A_89 : i32 to index
          %get3A_722 = arith.index_cast %add3A_642 : i32 to index
          %get3A_723 = arith.constant 80 : index
          %get3A_724 = tpu.vector_load %arg17[%get3A_721, %get3A_722, %get3A_723] {strides = array<i32>} : memref<2x128x128xf32, #tpu.memory_space<vmem>>, vector<16xf32>,
          %mul3A_725 = arith.mulf %get3A_720, %get3A_724 : vector<16xf32>
          %get3A_726 = arith.index_cast %and3A_89 : i32 to index
          %get3A_727 = arith.index_cast %add3A_642 : i32 to index
          %get3A_728 = arith.constant 80 : index
          %get3A_729 = tpu.vector_load %arg18[%get3A_726, %get3A_727, %get3A_728] {strides = array<i32>} : memref<2x128x128xf32, #tpu.memory_space<vmem>>, vector<16xf32>,
          %mul3A_730 = arith.mulf %mul3A_725, %get3A_729 : vector<16xf32>
          %add3A_731 = arith.addf %add3A_716, %mul3A_730 : vector<16xf32>
          %get3A_732 = arith.index_cast %and3A_89 : i32 to index
          %get3A_733 = arith.index_cast %add3A_642 : i32 to index
          %get3A_734 = arith.constant 96 : index
          %get3A_735 = tpu.vector_load %arg16[%get3A_732, %get3A_733, %get3A_734] {strides = array<i32>} : memref<2x128x128xf32, #tpu.memory_space<vmem>>, vector<16xf32>,
          %get3A_736 = arith.index_cast %and3A_89 : i32 to index
          %get3A_737 = arith.index_cast %add3A_642 : i32 to index
          %get3A_738 = arith.constant 96 : index
          %get3A_739 = tpu.vector_load %arg17[%get3A_736, %get3A_737, %get3A_738] {strides = array<i32>} : memref<2x128x128xf32, #tpu.memory_space<vmem>>, vector<16xf32>,
          %mul3A_740 = arith.mulf %get3A_735, %get3A_739 : vector<16xf32>
          %get3A_741 = arith.index_cast %and3A_89 : i32 to index
          %get3A_742 = arith.index_cast %add3A_642 : i32 to index
          %get3A_743 = arith.constant 96 : index
          %get3A_744 = tpu.vector_load %arg18[%get3A_741, %get3A_742, %get3A_743] {strides = array<i32>} : memref<2x128x128xf32, #tpu.memory_space<vmem>>, vector<16xf32>,
          %mul3A_745 = arith.mulf %mul3A_740, %get3A_744 : vector<16xf32>
          %add3A_746 = arith.addf %add3A_731, %mul3A_745 : vector<16xf32>
          %get3A_747 = arith.index_cast %and3A_89 : i32 to index
          %get3A_748 = arith.index_cast %add3A_642 : i32 to index
          %get3A_749 = arith.constant 112 : index
          %get3A_750 = tpu.vector_load %arg16[%get3A_747, %get3A_748, %get3A_749] {strides = array<i32>} : memref<2x128x128xf32, #tpu.memory_space<vmem>>, vector<16xf32>,
          %get3A_751 = arith.index_cast %and3A_89 : i32 to index
          %get3A_752 = arith.index_cast %add3A_642 : i32 to index
          %get3A_753 = arith.constant 112 : index
          %get3A_754 = tpu.vector_load %arg17[%get3A_751, %get3A_752, %get3A_753] {strides = array<i32>} : memref<2x128x128xf32, #tpu.memory_space<vmem>>, vector<16xf32>,
          %mul3A_755 = arith.mulf %get3A_750, %get3A_754 : vector<16xf32>
          %get3A_756 = arith.index_cast %and3A_89 : i32 to index
          %get3A_757 = arith.index_cast %add3A_642 : i32 to index
          %get3A_758 = arith.constant 112 : index
          %get3A_759 = tpu.vector_load %arg18[%get3A_756, %get3A_757, %get3A_758] {strides = array<i32>} : memref<2x128x128xf32, #tpu.memory_space<vmem>>, vector<16xf32>,
          %mul3A_760 = arith.mulf %mul3A_755, %get3A_759 : vector<16xf32>
          %add3A_761 = arith.addf %add3A_746, %mul3A_760 : vector<16xf32>
          %add3A_762 = vector.broadcast %add3A_639 : i32 to vector<16xi32>
          %add3A_763 = arith.addi %mul3A_5, %add3A_762 : vector<16xi32>
          tpu.vector_store_idx %arg19[%add3A_763], %add3A_761 : memref<272xf32, #tpu.memory_space<vmem>>[vector<16xi32>], vector<16xf32>,
          %scan3A_764 = arith.constant 0 : i32
          scf.yield %scan3A_764 : i32
        }
        %scan3A_187 = arith.constant 4 : i32
        %get3A = arith.constant 0 : index
        %get3A_188 = tpu.vector_load %arg19[%get3A] {strides = array<i32>} : memref<272xf32, #tpu.memory_space<vmem>>, vector<16xf32>,
        %get3A_189 = arith.constant 17 : index
        %get3A_190 = tpu.vector_load %arg19[%get3A_189] {strides = array<i32>} : memref<272xf32, #tpu.memory_space<vmem>>, vector<16xf32>,
        %add3A_191 = arith.addf %get3A_188, %get3A_190 : vector<16xf32>
        %get3A_192 = arith.constant 34 : index
        %get3A_193 = tpu.vector_load %arg19[%get3A_192] {strides = array<i32>} : memref<272xf32, #tpu.memory_space<vmem>>, vector<16xf32>,
        %add3A_194 = arith.addf %add3A_191, %get3A_193 : vector<16xf32>
        %get3A_195 = arith.constant 51 : index
        %get3A_196 = tpu.vector_load %arg19[%get3A_195] {strides = array<i32>} : memref<272xf32, #tpu.memory_space<vmem>>, vector<16xf32>,
        %add3A_197 = arith.addf %add3A_194, %get3A_196 : vector<16xf32>
        %get3A_198 = arith.constant 68 : index
        %get3A_199 = tpu.vector_load %arg19[%get3A_198] {strides = array<i32>} : memref<272xf32, #tpu.memory_space<vmem>>, vector<16xf32>,
        %add3A_200 = arith.addf %add3A_197, %get3A_199 : vector<16xf32>
        %get3A_201 = arith.constant 85 : index
        %get3A_202 = tpu.vector_load %arg19[%get3A_201] {strides = array<i32>} : memref<272xf32, #tpu.memory_space<vmem>>, vector<16xf32>,
        %add3A_203 = arith.addf %add3A_200, %get3A_202 : vector<16xf32>
        %get3A_204 = arith.constant 102 : index
        %get3A_205 = tpu.vector_load %arg19[%get3A_204] {strides = array<i32>} : memref<272xf32, #tpu.memory_space<vmem>>, vector<16xf32>,
        %add3A_206 = arith.addf %add3A_203, %get3A_205 : vector<16xf32>
        %get3A_207 = arith.constant 119 : index
        %get3A_208 = tpu.vector_load %arg19[%get3A_207] {strides = array<i32>} : memref<272xf32, #tpu.memory_space<vmem>>, vector<16xf32>,
        %add3A_209 = arith.addf %add3A_206, %get3A_208 : vector<16xf32>
        %get3A_210 = arith.constant 136 : index
        %get3A_211 = tpu.vector_load %arg19[%get3A_210] {strides = array<i32>} : memref<272xf32, #tpu.memory_space<vmem>>, vector<16xf32>,
        %add3A_212 = arith.addf %add3A_209, %get3A_211 : vector<16xf32>
        %get3A_213 = arith.constant 153 : index
        %get3A_214 = tpu.vector_load %arg19[%get3A_213] {strides = array<i32>} : memref<272xf32, #tpu.memory_space<vmem>>, vector<16xf32>,
        %add3A_215 = arith.addf %add3A_212, %get3A_214 : vector<16xf32>
        %get3A_216 = arith.constant 170 : index
        %get3A_217 = tpu.vector_load %arg19[%get3A_216] {strides = array<i32>} : memref<272xf32, #tpu.memory_space<vmem>>, vector<16xf32>,
        %add3A_218 = arith.addf %add3A_215, %get3A_217 : vector<16xf32>
        %get3A_219 = arith.constant 187 : index
        %get3A_220 = tpu.vector_load %arg19[%get3A_219] {strides = array<i32>} : memref<272xf32, #tpu.memory_space<vmem>>, vector<16xf32>,
        %add3A_221 = arith.addf %add3A_218, %get3A_220 : vector<16xf32>
        %get3A_222 = arith.constant 204 : index
        %get3A_223 = tpu.vector_load %arg19[%get3A_222] {strides = array<i32>} : memref<272xf32, #tpu.memory_space<vmem>>, vector<16xf32>,
        %add3A_224 = arith.addf %add3A_221, %get3A_223 : vector<16xf32>
        %get3A_225 = arith.constant 221 : index
        %get3A_226 = tpu.vector_load %arg19[%get3A_225] {strides = array<i32>} : memref<272xf32, #tpu.memory_space<vmem>>, vector<16xf32>,
        %add3A_227 = arith.addf %add3A_224, %get3A_226 : vector<16xf32>
        %get3A_228 = arith.constant 238 : index
        %get3A_229 = tpu.vector_load %arg19[%get3A_228] {strides = array<i32>} : memref<272xf32, #tpu.memory_space<vmem>>, vector<16xf32>,
        %add3A_230 = arith.addf %add3A_227, %get3A_229 : vector<16xf32>
        %get3A_231 = arith.constant 255 : index
        %get3A_232 = tpu.vector_load %arg19[%get3A_231] {strides = array<i32>} : memref<272xf32, #tpu.memory_space<vmem>>, vector<16xf32>,
        %add3A_233 = arith.addf %add3A_230, %get3A_232 : vector<16xf32>
        %mul3A_234 = arith.constant 128 : i32
        %mul3A_235 = arith.muli %scan3A_87, %mul3A_234 : i32
        %mul3A_236 = arith.constant 16 : i32
        %mul3A_237 = arith.muli %scan3A_179, %mul3A_236 : i32
        %add3A_238 = arith.addi %mul3A_235, %mul3A_237 : i32
        %get3A_239 = arith.index_cast %add3A_238 : i32 to index
        %get3A_240 = tpu.vector_load %arg14[%get3A_239] {strides = array<i32>} : memref<512xf32, #tpu.memory_space<vmem>>, vector<16xf32>,
        %sub3A = arith.subf %add3A_233, %get3A_240 : vector<16xf32>
        %neg3A = arith.constant 0.000000e+00 : f32
        %neg3A_241 = vector.broadcast %neg3A : f32 to vector<16xf32>
        %neg3A_242 = arith.subf %neg3A_241, %sub3A : vector<16xf32>
        %exp3A = math.exp %neg3A_242 : vector<16xf32>
        %add3A_243 = arith.constant 1.000000e+00 : f32
        %add3A_244 = vector.broadcast %add3A_243 : f32 to vector<16xf32>
        %add3A_245 = arith.addf %add3A_244, %exp3A : vector<16xf32>
        %div3A = arith.constant 1.000000e+00 : f32
        %div3A_246 = vector.broadcast %div3A : f32 to vector<16xf32>
        %div3A_247 = arith.divf %div3A_246, %add3A_245 : vector<16xf32>
        %swap3A = arith.index_cast %add3A_238 : i32 to index
        %swap3A_248 = tpu.vector_load %arg15[%swap3A] {strides = array<i32>} : memref<512xf32, #tpu.memory_space<vmem>>, vector<16xf32>,
        tpu.vector_store %arg15[%swap3A], %div3A_247 {strides = array<i32>} : memref<512xf32, #tpu.memory_space<vmem>>, vector<16xf32>,
        %scan3A_249 = arith.constant 0 : i32
        scf.yield %scan3A_249 : i32
      }
      %scan3A_177 = arith.constant 8 : i32
      %scan3A_178 = arith.constant 0 : i32
      scf.yield %scan3A_178 : i32
    }
    %scan3A_54 = arith.constant 4 : i32
    "tpu.region"() ({
      %run_scoped3A = tpu.sem_alloc : memref<!tpu.dma_semaphore, #tpu.memory_space<semaphore_mem>>
      %dma_start3A_87 = tpu.memref_slice %arg8[%mul3A_2] : memref<16384xf32, #tpu.memory_space<hbm>> -> memref<512xf32, #tpu.memory_space<hbm>>
      %dma_start3A_88 = tpu.memref_slice %arg8[%mul3A_2] : memref<16384xf32, #tpu.memory_space<hbm>> -> memref<512xf32, #tpu.memory_space<hbm>>
      tpu.enqueue_dma source(%arg15 : memref<512xf32, #tpu.memory_space<vmem>>) target(%dma_start3A_88 : memref<512xf32, #tpu.memory_space<hbm>>) target_semaphore(%run_scoped3A : memref<!tpu.dma_semaphore, #tpu.memory_space<semaphore_mem>>)
      %dma_wait3A_89 = tpu.memref_slice %arg8[%mul3A_2] : memref<16384xf32, #tpu.memory_space<hbm>> -> memref<512xf32, #tpu.memory_space<hbm>>
      %dma_wait3A_90 = tpu.memref_slice %arg8[%mul3A_2] : memref<16384xf32, #tpu.memory_space<hbm>> -> memref<512xf32, #tpu.memory_space<hbm>>
      tpu.wait_dma2 semaphore(%run_scoped3A : memref<!tpu.dma_semaphore, #tpu.memory_space<semaphore_mem>>) src(%arg15 : memref<512xf32, #tpu.memory_space<vmem>>) dst(%dma_wait3A_90 : memref<512xf32, #tpu.memory_space<hbm>>)
      tpu.yield
    }) : () -> ()
    %dma_wait3A_55 = arith.constant 1 : i32
    %dma_wait3A_56 = arith.constant 0 : i32
    %dma_wait3A_57 = arith.constant 0 : i32
    %dma_wait3A_58 = tpu.memref_slice %arg16[%dma_wait3A_55, %dma_wait3A_56, %dma_wait3A_57] : memref<2x128x128xf32, #tpu.memory_space<vmem>> -> memref<1x128x128xf32, #tpu.memory_space<vmem>>
    %dma_wait3A_59 = tpu.memref_squeeze %dma_wait3A_58 : memref<1x128x128xf32, #tpu.memory_space<vmem>> -> memref<128x128xf32, #tpu.memory_space<vmem>>
    %dma_wait3A_60 = arith.constant 0 : i32
    %dma_wait3A_61 = arith.constant 0 : i32
    %dma_wait3A_62 = tpu.memref_slice %arg9[%dma_wait3A_60, %dma_wait3A_61] : memref<16384x128xf32, #tpu.memory_space<hbm>> -> memref<128x128xf32, #tpu.memory_space<hbm>>
    %dma_wait3A_63 = arith.constant 0 : i32
    %dma_wait3A_64 = arith.constant 0 : i32
    %dma_wait3A_65 = tpu.memref_slice %arg9[%dma_wait3A_63, %dma_wait3A_64] : memref<16384x128xf32, #tpu.memory_space<hbm>> -> memref<128x128xf32, #tpu.memory_space<hbm>>
    %dma_wait3A_66 = arith.constant 0 : i32
    %dma_wait3A_67 = arith.constant 0 : i32
    %dma_wait3A_68 = tpu.memref_slice %arg16[%dma_wait3A_55, %dma_wait3A_66, %dma_wait3A_67] : memref<2x128x128xf32, #tpu.memory_space<vmem>> -> memref<1x128x128xf32, #tpu.memory_space<vmem>>
    %dma_wait3A_69 = tpu.memref_squeeze %dma_wait3A_68 : memref<1x128x128xf32, #tpu.memory_space<vmem>> -> memref<128x128xf32, #tpu.memory_space<vmem>>
    tpu.wait_dma2 semaphore(%arg23 : memref<!tpu.dma_semaphore, #tpu.memory_space<semaphore_mem>>) src(%dma_wait3A_69 : memref<128x128xf32, #tpu.memory_space<vmem>>) dst(%dma_wait3A_65 : memref<128x128xf32, #tpu.memory_space<hbm>>)
    %dma_wait3A_70 = arith.constant 1 : i32
    %dma_wait3A_71 = arith.constant 0 : i32
    %dma_wait3A_72 = arith.constant 0 : i32
    %dma_wait3A_73 = tpu.memref_slice %arg17[%dma_wait3A_70, %dma_wait3A_71, %dma_wait3A_72] : memref<2x128x128xf32, #tpu.memory_space<vmem>> -> memref<1x128x128xf32, #tpu.memory_space<vmem>>
    %dma_wait3A_74 = tpu.memref_squeeze %dma_wait3A_73 : memref<1x128x128xf32, #tpu.memory_space<vmem>> -> memref<128x128xf32, #tpu.memory_space<vmem>>
    %dma_wait3A_75 = arith.constant 0 : i32
    %dma_wait3A_76 = arith.constant 0 : i32
    %dma_wait3A_77 = tpu.memref_slice %arg10[%dma_wait3A_75, %dma_wait3A_76] : memref<16384x128xf32, #tpu.memory_space<hbm>> -> memref<128x128xf32, #tpu.memory_space<hbm>>
    %dma_wait3A_78 = arith.constant 0 : i32
    %dma_wait3A_79 = arith.constant 0 : i32
    %dma_wait3A_80 = tpu.memref_slice %arg10[%dma_wait3A_78, %dma_wait3A_79] : memref<16384x128xf32, #tpu.memory_space<hbm>> -> memref<128x128xf32, #tpu.memory_space<hbm>>
    %dma_wait3A_81 = arith.constant 0 : i32
    %dma_wait3A_82 = arith.constant 0 : i32
    %dma_wait3A_83 = tpu.memref_slice %arg17[%dma_wait3A_70, %dma_wait3A_81, %dma_wait3A_82] : memref<2x128x128xf32, #tpu.memory_space<vmem>> -> memref<1x128x128xf32, #tpu.memory_space<vmem>>
    %dma_wait3A_84 = tpu.memref_squeeze %dma_wait3A_83 : memref<1x128x128xf32, #tpu.memory_space<vmem>> -> memref<128x128xf32, #tpu.memory_space<vmem>>
    tpu.wait_dma2 semaphore(%arg24 : memref<!tpu.dma_semaphore, #tpu.memory_space<semaphore_mem>>) src(%dma_wait3A_84 : memref<128x128xf32, #tpu.memory_space<vmem>>) dst(%dma_wait3A_80 : memref<128x128xf32, #tpu.memory_space<hbm>>)
    %dma_wait3A_85 = tpu.memref_slice %arg11[%mul3A_2] : memref<16384xf32, #tpu.memory_space<hbm>> -> memref<512xf32, #tpu.memory_space<hbm>>
    %dma_wait3A_86 = tpu.memref_slice %arg11[%mul3A_2] : memref<16384xf32, #tpu.memory_space<hbm>> -> memref<512xf32, #tpu.memory_space<hbm>>
    tpu.wait_dma2 semaphore(%arg26 : memref<!tpu.dma_semaphore, #tpu.memory_space<semaphore_mem>>) src(%arg14 : memref<512xf32, #tpu.memory_space<vmem>>) dst(%dma_wait3A_86 : memref<512xf32, #tpu.memory_space<hbm>>)
    return
  }
}

</mosaic_0001>

<sc_bundles>
// kernel: kernel.3.cloned.1.call-start
scs
__scs_entry_jumppad:
0x0: {  	(pc) =	sbr.rel $0x88, $3  }
0x1: {  	(tag) =	ssettag $0x0;
	lr =	simm.s32 $0x1  }
0x2: {  	[smem:$0x3F9B] =	sst lr;
	_ =	strace $0xD0000000  }
0x3: {  	_ = 	snop  }
0x4: {  	_ = 	snop  }
0x5: {  	_ = 	snop  }
0x6: {  	_ = 	snop  }
0x7: {  	_ = 	snop  }
__scs_overlays_trampoline_lowered:
0x8: {  	[smem:$0x3FAA] =	sst s0  }
0x9: {  	[smem:$0x3FAB] =	sst s1  }
0xa: {  	[smem:$0x3FAC] =	sst s2  }
0xb: {  	[smem:$0x3FAD] =	sst s3  }
0xc: {  	[smem:$0x3FAE] =	sst s4  }
0xd: {  	[smem:$0x3FAF] =	sst s5  }
0xe: {  	[smem:$0x3FB0] =	sst s6  }
0xf: {  	[smem:$0x3FB1] =	sst s7  }
0x10: {  	[smem:$0x3FB2] =	sst s8  }
0x11: {  	[smem:$0x3FB3] =	sst s9;
	s0 =	simm.s32 @!p0 $0x0  }
0x12: {  	s1 =	sld [smem:$0x3F99];
	s0 =	simm.s32 @p0 $0x1  }
0x13: {  	[smem:$0x3FB4] =	sst s0;
	s0 =	simm.s32 @!p1 $0x0  }
0x14: {  	s2 =	sld [smem:$0x3F98];
	s0 =	simm.s32 @p1 $0x1  }
0x15: {  	[smem:$0x3FB5] =	sst s0;
	s0 =	simm.s32 @!p2 $0x0  }
0x16: {  	s3 =	sld [smem:$0x3FDB];
	s0 =	simm.s32 @p2 $0x1  }
0x17: {  	s4 =	simm.s32 $0x1BF5;
	[smem:$0x3FB7] =	sst s0  }
0x18: {  	s0 =	sld [smem:$0x3F9A];
	_ =	swait.ge [sflag:s4], $0x0  }
0x19: {  	s7 =	sld [smem:$0x3F9B]  }
0x1a: {  	s8 =	sadd.s32 $0xFFFFE003, lr  }
0x1b: {  	s9 =	sadd.s32 $0xFFFFFEF7, lr;
	s5 =	simm.s32 $0xFFFFFFFF;
	p2 =	slt.u32 s8, $0xFFFFF086  }
0x1c: {  	p1 =	slt.u32 s9, $0xF7A;
	s5 =	simm.s32 @!p2 $0x0  }
0x1d: {  	s5 =	simm.s32 @p1 $0x1;
	p0 =	seq.s32 s7, s2  }
0x1e: {  	s7 =	smul.u32 @!p0 $0xF7A, s2;
	p2 =	seq.s32 @!p0 s5, $0x0  }
0x1f: {  	s9 =	smul.u32 $0xF7A, s1;
	s8 =	simm.s32 @!p0 $0x1BF5;
	p2 =	por !p2, p0  }
0x20: {  	[sflag:s8] =	ssyncset.s32 @!p0 $0xFFFFF086;
	s6 =	sadd.s32 @!p0 s3, s7;
	s7 =	simm.s32 @!p0 $0x108  }
0x21: {  	s3 =	sadd.s32 s3, s9;
	s6 =	sadd.s32 @!p0 $0x88, s6;
	s7 =	simm.s32 @p2 $0x1082  }
0x22: {  	[simem:s7], [sflag:s8] =	dma.local @!p0 [hbm:s6], $0xF7A  }
0x23: {  	s9 =	sor.u32 $0xD0000000, s2;
	s6 =	simm.s32 $0x108;
	_ =	swait.ge @!p0 [sflag:s8], $0x0  }
0x24: {  	s3 =	sadd.s32 $0x88, s3;
	s6 =	simm.s32 @!p1 $0x1082;
	[sflag:s4] =	ssyncset.s32 $0xFFFFF086  }
0x25: {  	[simem:s6], [sflag:s4] =	dma.local [hbm:s3], $0xF7A  }
0x26: {  	[smem:$0x3F9B] =	sst s1;
	(tag) =	ssettag s2;
	_ =	strace s9  }
0x27: {  	s1 =	sld [smem:$0x3FAB]  }
0x28: {  	s2 =	sld [smem:$0x3FAC]  }
0x29: {  	s4 =	sld [smem:$0x3FAE]  }
0x2a: {  	p0 =	seq.s32 s5, $0x0;
	s5 =	sld [smem:$0x3FAF]  }
0x2b: {  	s6 =	sld [smem:$0x3FB0]  }
0x2c: {  	s7 =	sld [smem:$0x3FB1]  }
0x2d: {  	s3 =	simm.s32 $0x108;
	s8 =	sld [smem:$0x3FB2]  }
0x2e: {  	s3 =	simm.s32 @!p0 $0x1082;
	s9 =	sld [smem:$0x3FB3]  }
0x2f: {  	lr =	sadd.s32 s0, s3;
	s0 =	sld [smem:$0x3FAA]  }
0x30: {  	s3 =	sld [smem:$0x3FAD]  }
0x31: {  	[smem:$0x3FB6] =	sst s10  }
0x32: {  	s10 =	sld [smem:$0x3FB4];
	_ =	sdelay $0x3  }
0x33: {  	p0 =	seq.s32 s10, $0x1;
	s10 =	sld [smem:$0x3FB6];
	_ =	sdelay $0x3  }
0x34: {  	[smem:$0x3FB6] =	sst s10  }
0x35: {  	s10 =	sld [smem:$0x3FB5];
	_ =	sdelay $0x3  }
0x36: {  	p1 =	seq.s32 s10, $0x1;
	s10 =	sld [smem:$0x3FB6];
	_ =	sdelay $0x3  }
0x37: {  	[smem:$0x3FB6] =	sst s10  }
0x38: {  	s10 =	sld [smem:$0x3FB7]  }
0x39: {  	_ = 	snop;
	(pc) =	sbr.ind lr, $3  }
0x3a: {  	_ = 	snop  }
0x3b: {  	_ = 	snop  }
0x3c: {  	p2 =	seq.s32 s10, $0x1;
	s10 =	sld [smem:$0x3FB6]  }
0x3d: {  	_ =	shalt  }
0x3e: {  	_ =	shalt  }
0x3f: {  	_ =	shalt  }
0x40: {  	_ =	shalt  }
0x41: {  	_ =	shalt  }
0x42: {  	_ =	shalt  }
0x43: {  	_ =	shalt  }
0x44: {  	_ =	shalt  }
0x45: {  	_ =	shalt  }
0x46: {  	_ =	shalt  }
0x47: {  	_ =	shalt  }
0x48: {  	_ =	shalt  }
0x49: {  	_ =	shalt  }
0x4a: {  	_ =	shalt  }
0x4b: {  	_ =	shalt  }
0x4c: {  	_ =	shalt  }
0x4d: {  	_ =	shalt  }
0x4e: {  	_ =	shalt  }
0x4f: {  	_ =	shalt  }
0x50: {  	_ =	shalt  }
0x51: {  	_ =	shalt  }
0x52: {  	_ =	shalt  }
0x53: {  	_ =	shalt  }
0x54: {  	_ =	shalt  }
0x55: {  	_ =	shalt  }
0x56: {  	_ =	shalt  }
0x57: {  	_ =	shalt  }
0x58: {  	_ =	shalt  }
0x59: {  	_ =	shalt  }
0x5a: {  	_ =	shalt  }
0x5b: {  	_ =	shalt  }
0x5c: {  	_ =	shalt  }
0x5d: {  	_ =	shalt  }
0x5e: {  	_ =	shalt  }
0x5f: {  	_ =	shalt  }
0x60: {  	_ =	shalt  }
0x61: {  	_ =	shalt  }
0x62: {  	_ =	shalt  }
0x63: {  	_ =	shalt  }
0x64: {  	_ =	shalt  }
0x65: {  	_ =	shalt  }
0x66: {  	_ =	shalt  }
0x67: {  	_ =	shalt  }
0x68: {  	_ =	shalt  }
0x69: {  	_ =	shalt  }
0x6a: {  	_ =	shalt  }
0x6b: {  	_ =	shalt  }
0x6c: {  	_ =	shalt  }
0x6d: {  	_ =	shalt  }
0x6e: {  	_ =	shalt  }
0x6f: {  	_ =	shalt  }
0x70: {  	_ =	shalt  }
0x71: {  	_ =	shalt  }
0x72: {  	_ =	shalt  }
0x73: {  	_ =	shalt  }
0x74: {  	_ =	shalt  }
0x75: {  	_ =	shalt  }
0x76: {  	_ =	shalt  }
0x77: {  	_ =	shalt  }
0x78: {  	_ =	shalt  }
0x79: {  	_ =	shalt  }
0x7a: {  	_ =	shalt  }
0x7b: {  	_ =	shalt  }
0x7c: {  	_ =	shalt  }
0x7d: {  	_ =	shalt  }
0x7e: {  	_ =	shalt  }
0x7f: {  	_ =	shalt  }
0x80: {  	_ =	shalt  }
0x81: {  	_ =	shalt  }
0x82: {  	_ =	shalt  }
0x83: {  	_ =	shalt  }
0x84: {  	_ =	shalt  }
0x85: {  	_ =	shalt  }
0x86: {  	_ =	shalt  }
0x87: {  	_ =	shalt  }
.Lfunc_end0:
.L_simem_size_0:
called_computation_lowered:
.L_overlay_start_0:
0x88: {  	s2 =	sld [smem:$0x3FD9]  }
0x89: {  	s3 =	sld [smem:$0x3FFE];
	_ =	sdelay $0x1  }
0x8a: {  	s1 =	srdreg.scid  }
0x8b: {  	s0 =	sand.u32 $0x1, s1  }
0x8c: {  	s30 =	sshll.u32 s0, $0xA;
	s2 =	sadd.s32 s3, s2  }
0x8d: {  	s2 =	sadd.s32 s2, s30  }
0x8e: {  	[smem:$0x3FC2] =	sst s2  }
0x8f: {  	_ = 	snop  }
0x90: {  	s2 =	sld [smem:$0x3FC9]  }
0x91: {  	s31 =	sld [smem:$0x3FC8]  }
0x92: {  	s4 =	sld [smem:$0x3FD0]  }
0x93: {  	s5 =	sld [smem:$0x3FC7]  }
0x94: {  	s6 =	sld [smem:$0x3FC6]  }
0x95: {  	s8 =	simm.s32 $0xA;
	s9 =	simm.s32 $0x10;
	s7 =	sld [smem:$0x3FC5]  }
0x96: {  	[smem:s9], [sflag:s8] =	dma.local [hbm:s4], $0x1  }
0x97: {  	_ =	swait.eq [sflag:s8], $0x1  }
0x98: {  	s16 =	sld [smem:$0x10]  }
0x99: {  	s17 =	sld [smem:$0x11];
	[sflag:s8] =	ssyncset.done $0x0  }
0x9a: {  	s10 =	sld [smem:$0x12];
	[sflag:s8] =	ssyncadd.s32 $0xFFFFFFFF  }
0x9b: {  	s18 =	sld [smem:$0x13];
	(tm) =	ssettm $0x1  }
0x9c: {  	s11 =	sld [smem:$0x3FFB];
	_ =	sdelay $0x3  }
0x9d: {  	_ =	strace s11  }
0x9e: {  	s11 =	sld [smem:$0x3FFC];
	_ =	sdelay $0x3  }
0x9f: {  	_ =	strace s11  }
0xa0: {  	s11 =	sld [smem:$0x3FFD];
	_ =	sdelay $0x3  }
0xa1: {  	_ =	strace s11  }
0xa2: {  	_ =	strace $0x8FFFFFFF  }
0xa3: {  	s19 =	sld [smem:$0x3FDB];
	_ =	sdelay $0x1  }
0xa4: {  	s12 =	simm.s32 $_scs_section_size  }
0xa5: {  	s13 =	simm.s32 $_size__tile_overlayer_lowered;
	s14 =	simm.s32 $_tile_overlayer_lowered  }
0xa6: {  	s22 =	simm.s32 $0x1BFF;
	s21 =	sshll.u32 s14, $0x1;
	s11 =	sadd.s32 s12, s19  }
0xa7: {  	s15 =	simm.s32 $0x0;
	s20 =	sshll.u32 s13, $0x1;
	s13 =	sadd.s32 s21, s11  }
0xa8: {  	[timem:s15], [sflag:s22] =	dma.local [hbm:s13], s20  }
0xa9: {  	_ =	swait.ge [sflag:s22], s20  }
0xaa: {  	s12 =	ssub.s32 $0x0, s20;
	[sflag:s22] =	ssyncset.done $0x0  }
0xab: {  	[sflag:s22] =	ssyncadd.s32 s12;
	_ =	sdelay $0x1  }
0xac: {  	s23 =	simm.s32 $0x1B8B  }
0xad: {  	_ =	swait.ge [sflag:s23], $0x1  }
0xae: {  	[sflag:s23] =	ssyncset.done $0x0  }
0xaf: {  	s25 =	simm.s32 $0x1B8E;
	s24 =	sld [smem:$0x3FFE];
	[sflag:s23] =	ssyncadd.s32 $0xFFFFFFFF  }
0xb0: {  	s26 =	simm.s32 $execute0_lowered;
	[smem:$0x3FD2] =	sst s25  }
0xb1: {  	s13 =	sshll.u32 s26, $0x1;
	_ =	strace $0x80000046;
	[dreg:$0x1] =	wrdreg $0xFFFFFFFF  }
0xb2: {  	s28 =	simm.s32 $_size_execute0_lowered;
	s11 =	sadd.s32 s11, s13;
	[dreg:$0x0] =	wrdreg $0x0  }
0xb3: {  	s13 =	sshll.u32 s28, $0x1;
	[dreg:$0x2] =	wrdreg s11  }
0xb4: {  	[dreg:$0x3] =	wrdreg s13  }
0xb5: {  	[dreg:$0x4] =	wrdreg $0xC0  }
0xb6: {  	_ =	task [dreg:s15], $0x5FFFF  }
0xb7: {  	[dreg:$0x1] =	wrdreg $0xFFFFFFFF  }
0xb8: {  	[dreg:$0x0] =	wrdreg $0x60  }
0xb9: {  	[dreg:$0x2] =	wrdreg s2  }
0xba: {  	[dreg:$0x3] =	wrdreg s31  }
0xbb: {  	[dreg:$0x4] =	wrdreg s5  }
0xbc: {  	[dreg:$0x5] =	wrdreg s6  }
0xbd: {  	[dreg:$0x6] =	wrdreg s7  }
0xbe: {  	[dreg:$0x7] =	wrdreg s24  }
0xbf: {  	[dreg:$0x8] =	wrdreg s16  }
0xc0: {  	[dreg:$0x9] =	wrdreg s17  }
0xc1: {  	[dreg:$0xa] =	wrdreg s10  }
0xc2: {  	[dreg:$0xb] =	wrdreg s18  }
0xc3: {  	[dreg:$0xc] =	wrdreg $0x9  }
0xc4: {  	_ =	task.clear_ibuf [dreg:s15], $0xDFFFF;
	_ =	strace $0x90000046  }
0xc5: {  	s29 =	simm.s32 $0x9;
	_ =	strace $0x80000048  }
0xc6: {  	_ =	swait.ge [sflag:s29], $0x1  }
0xc7: {  	[sflag:s29] =	ssyncadd.s32 $0xFFFFFFFF  }
0xc8: {  	_ =	strace $0x90000048  }
0xc9: {  	_ =	sfence  }
0xca: {  	s30 =	sld [smem:$0x0];
	_ =	sdelay $0x2  }
0xcb: {  	s31 =	sshll.u32 s1, $0xD;
	s1 =	sshrl.u32 s1, $0x2  }
0xcc: {  	s3 =	sand.u32 $0x4000, s31;
	s1 =	sadd.s32 s1, s30  }
0xcd: {  	s0 =	sor.u32 s3, s0;
	s1 =	sshll.u32 s1, $0x11  }
0xce: {  	s0 =	sor.u32 s1, s0  }
0xcf: {  	s0 =	sadd.s32 $0x8F2B, s0  }
0xd0: {  	[sflag:s0] =	ssyncadd.remote.s32 $0x1  }
0xd1: {  	_ =	sfence.sel $0xFFFF  }
0xd2: {  	[dreg:$0x0] =	wrdreg $0xFFFFFFFF;
	(pc) =	sbr.abs _section_cstart, $3  }
0xd3: {  	[dreg:$0x1] =	wrdreg $0xFFFFFFFF  }
0xd4: {  	_ =	task.clear_ibuf [dreg:s15], $0x2FFFF;
	_ =	strace $0x9FFFFFFF  }
0xd5: {  	(tm) =	ssettm $0x7FFFFFFF  }
tec
execute0_lowered:
.L_overlay_start_1:
0x0: {  	(tag) =	ssettag $0x1  }
0x1: {  	s1 =	rddreg [dreg:$0x0]  }
0x2: {  	s5 =	rddreg [dreg:$0x1]  }
0x3: {  	s8 =	rddreg [dreg:$0x2]  }
0x4: {  	s0 =	rddreg [dreg:$0x3]  }
0x5: {  	s2 =	rddreg [dreg:$0x4]  }
0x6: {  	s9 =	rddreg [dreg:$0x5]  }
0x7: {  	s10 =	rddreg [dreg:$0x6]  }
0x8: {  	s3 =	rddreg [dreg:$0x7]  }
0x9: {  	s4 =	rddreg [dreg:$0x8]  }
0xa: {  	s12 =	rddreg [dreg:$0x9];
	s7 =	srdreg.scid  }
0xb: {  	s6 =	simm.s32 $0x0;
	s11 =	stileid.u32;
	s15 =	simm.s32 $0x200  }
0xc: {  	s16 =	simm.s32 $0x1;
	s17 =	simm.s32 $0x2;
	s23 =	simm.s32 $0x3  }
0xd: {  	s24 =	simm.s32 $0x18800;
	s28 =	simm.s32 $0x4;
	s29 =	simm.s32 $0x5  }
0xe: {  	s30 =	simm.s32 $0x7;
	s31 =	simm.s32 $0x0;
	s7 =	sand.u32 $0x1, s7  }
0xf: {  	[smem:$0x7FF] =	sst s6;
	s11 =	sshll.u32 s11, $0xA;
	s9 =	sadd.s32 $0x400, s9  }
0x10: {  	s13 =	sshll.u32 s7, $0x9;
	_ =	strace $0x80000047;
	s14 =	ssub.s32 $0x2, s7  }
0x11: {  	[dreg:$0xb] =	wrdreg s9;
	s7 =	sor.u32 s13, s11;
	s25 =	sshrl.u32 s14, $0x1  }
0x12: {  	s13 =	sshrl.u32 s7, $0x3;
	s9 =	ssub.s32 s14, s25;
	s26 =	sshll.u32 s7, $0x4  }
0x13: {  	s1 =	sadd.s32 s1, s13;
	s5 =	sadd.s32 s5, s13;
	s11 =	sadd.s32 s8, s26  }
0x14: {  	v0 =	vlaneseq.u32;
	s12 =	sadd.s32 s12, s13;
	s13 =	sadd.s32 s10, s13;
	[dreg:$0xc] =	wrdreg s1  }
0x15: {  	v0 =	vmul.u32 $0x11, v0;
	s14 =	smax.u32 s9, $0x1;
	s26 =	simm.s32 $0x8;
	[dreg:$0xd] =	wrdreg s5  }
.LBB2_1:
0x16: {  	s1 =	rddreg [dreg:$0xc]  }
0x17: {  	[tilespmem:s6], [sflag:$0x1] =	stream.linear.gather [hbm4b:s1+s6], $0x200, $0x38;
	[tilespmem:$0x18980] =	vst v63  }
0x18: {  	s18 =	rddreg [dreg:$0xd]  }
0x19: {  	[tilespmem:s15], [sflag:$0x2] =	stream.linear.gather [hbm4b:s18+s6], $0x200, $0x38;
	[tilespmem:$0x18980] =	vst v63  }
0x1a: {  	_ =	swait.ge [sflag:s16], $0x200  }
0x1b: {  	[sflag:s16] =	ssyncset.done $0x0  }
0x1c: {  	[sflag:s16] =	ssyncadd.s32 $0xFFFFFE00  }
0x1d: {  	_ =	swait.ge [sflag:s17], $0x200  }
0x1e: {  	[sflag:s17] =	ssyncset.done $0x0  }
0x1f: {  	s19 =	simm.s32 $0x80;
	s5 =	simm.s32 $0x800;
	[sflag:s17] =	ssyncadd.s32 $0xFFFFFE00  }
0x20: {  	[tilespmem:s5], [sflag:$0x1] =	stream.indirect.gather [hbm4b:s0+s19], $0x80, s6, s19, $0xb8;
	[tilespmem:$0x18980] =	vst v63  }
0x21: {  	s20 =	simm.s32 $0x8800  }
0x22: {  	[tilespmem:s20], [sflag:$0x2] =	stream.indirect.gather [hbm4b:s2+s19], $0x80, s15, s19, $0xb8;
	[tilespmem:$0x18980] =	vst v63  }
0x23: {  	s21 =	simm.s32 $0x10800;
	s25 =	simm.s32 $0x400  }
0x24: {  	[tilespmem:s21], [sflag:$0x3] =	stream.linear.gather [hbm4b:s11+s6], $0x4000, $0x38;
	[tilespmem:$0x18980] =	vst v63  }
0x25: {  	p0 =	por $0x0, $0x0;
	s1 =	simm.s32 $0x0;
	s22 =	rddreg [dreg:$0xb]  }
0x26: {  	[tilespmem:s25], [sflag:$0x6] =	stream.indirect.gather [hbm4b:s22+s15], $0x1, s15, s15, $0xb8;
	[tilespmem:$0x18980] =	vst v63  }
.LBB2_3:
0x27: {  	p1 =	seq.s32 s1, $0x0  }
0x28: {  	s5 =	smov.u32 s1;
	s1 =	simm.s32 @!p1 $0x4  }
0x29: {  	_ =	swait.ge @!p1 [sflag:s1], $0x4000  }
0x2a: {  	[sflag:s1] =	ssyncset.done @!p1 $0x0  }
0x2b: {  	[sflag:s1] =	ssyncadd.s32 @!p1 $0xFFFFC000;
	s1 =	simm.s32 @!p1 $0x5  }
0x2c: {  	_ =	swait.ge @!p1 [sflag:s1], $0x4000  }
0x2d: {  	[sflag:s1] =	ssyncset.done @!p1 $0x0  }
0x2e: {  	[sflag:s1] =	ssyncadd.s32 @!p1 $0xFFFFC000  }
0x2f: {  	_ =	swait.ge [sflag:s16], $0x4000  }
0x30: {  	[sflag:s16] =	ssyncset.done $0x0  }
0x31: {  	[sflag:s16] =	ssyncadd.s32 $0xFFFFC000  }
0x32: {  	_ =	swait.ge [sflag:s17], $0x4000  }
0x33: {  	s22 =	sshll.u32 s5, $0xE;
	[sflag:s17] =	ssyncset.done $0x0  }
0x34: {  	s8 =	sand.u32 $0x4000, s22;
	s22 =	sshll.u32 s5, $0x7;
	[sflag:s17] =	ssyncadd.s32 $0xFFFFC000  }
0x35: {  	p1 =	seq.s32 s5, $0x3;
	s1 =	sadd.s32 $0x1, s5;
	_ =	swait.ge [sflag:s23], $0x4000  }
0x36: {  	s9 =	sxor.u32 @!p1 $0x4000, s8;
	s19 =	sshll.u32 @!p1 s1, $0x7;
	[sflag:s23] =	ssyncset.done $0x0  }
0x37: {  	s20 =	simm.s32 @!p1 $0x80;
	s10 =	sadd.s32 @!p1 $0x800, s9;
	[sflag:s23] =	ssyncadd.s32 $0xFFFFC000  }
0x38: {  	[tilespmem:s10], [sflag:$0x1] =	stream.indirect.gather @!p1 [hbm4b:s0+s20], $0x80, s19, s20, $0xb8;
	[tilespmem:$0x18980] =	vst v63  }
0x39: {  	s25 =	sor.u32 s7, s22;
	s10 =	sadd.s32 @!p1 $0x8800, s9;
	s19 =	sadd.s32 @!p1 $0x200, s19  }
0x3a: {  	[tilespmem:s10], [sflag:$0x2] =	stream.indirect.gather @!p1 [hbm4b:s2+s20], $0x80, s19, s20, $0xb8;
	[tilespmem:$0x18980] =	vst v63  }
0x3b: {  	s18 =	sshll.u32 s25, $0x4;
	s19 =	sshll.u32 @!p1 s1, $0xB  }
0x3c: {  	s9 =	sadd.s32 @!p1 $0x10800, s9;
	s20 =	simm.s32 @!p1 $0x0;
	s19 =	sadd.s32 @!p1 s19, s11  }
0x3d: {  	[tilespmem:s9], [sflag:$0x3] =	stream.linear.gather @!p1 [hbm4b:s19+s20], $0x4000, $0x38;
	[tilespmem:$0x18980] =	vst v63  }
0x3e: {  	s21 =	sadd.s32 s3, s18;
	s20 =	sor.u32 $0x800, s8  }
0x3f: {  	[hbm4b:s21+s6] =	stream.linear.scatter [tilespmem:s20], [sflag:$0x4], $0x4000, $0x38;
	[tilespmem:$0x18980] =	vst v63  }
0x40: {  	s25 =	sadd.s32 s4, s18;
	s8 =	sor.u32 $0x8800, s8;
	p1 =	sne.s32 s5, $0x0  }
0x41: {  	[hbm4b:s25+s6] =	stream.linear.scatter [tilespmem:s8], [sflag:$0x5], $0x4000, $0x38;
	[tilespmem:$0x18980] =	vst v63  }
0x42: {  	s5 =	simm.s32 $0x1;
	s8 =	simm.s32 @!p1 $0x6  }
0x43: {  	s5 =	simm.s32 @!p0 $0x0;
	_ =	swait.ge @!p1 [sflag:s8], $0x200  }
0x44: {  	s9 =	simm.s32 @!p1 $0x400;
	s5 =	sshll.u32 s5, $0xE;
	[sflag:s8] =	ssyncset.done @!p1 $0x0  }
0x45: {  	s21 =	simm.s32 $0x0;
	[sflag:s8] =	ssyncadd.s32 @!p1 $0xFFFFFE00;
	s8 =	simm.s32 @!p1 $0x0  }
0x46: {  	[hbm4b:s12+s8] =	stream.linear.scatter @!p1 [tilespmem:s9], [sflag:$0x7], $0x200, $0x38;
	[tilespmem:$0x18980] =	vst v63  }
0x47: {  	v1 =	vmov s22;
	s10 =	sor.u32 $0x900, s5;
	s9 =	sor.u32 $0x8900, s5;
	s8 =	sor.u32 $0x10900, s5  }
.LBB2_4:
0x48: {  	s22 =	sshll.u32 s21, $0x4;
	s25 =	simm.s32 $0x3  }
0x49: {  	s20 =	smov.u32 s8;
	s19 =	smov.u32 s9;
	s5 =	smov.u32 s10  }
.LBB2_5:
0x4a: {  	v2 =	vld [tilespmem:s5+$0xFFFFFF00]  }
0x4b: {  	v3 =	vld [tilespmem:s19+$0xFFFFFF00]  }
0x4c: {  	v4 =	vld [tilespmem:s20+$0xFFFFFF00]  }
0x4d: {  	v5 =	vld [tilespmem:s5+$0xFFFFFF10]  }
0x4e: {  	v6 =	vld [tilespmem:s19+$0xFFFFFF10]  }
0x4f: {  	v7 =	vld [tilespmem:s20+$0xFFFFFF10]  }
0x50: {  	v8 =	vld [tilespmem:s5+$0xFFFFFF20]  }
0x51: {  	v9 =	vld [tilespmem:s19+$0xFFFFFF20]  }
0x52: {  	v10 =	vld [tilespmem:s20+$0xFFFFFF20]  }
0x53: {  	v11 =	vld [tilespmem:s5+$0xFFFFFF30]  }
0x54: {  	v12 =	vld [tilespmem:s19+$0xFFFFFF30]  }
0x55: {  	v13 =	vld [tilespmem:s20+$0xFFFFFF30]  }
0x56: {  	v14 =	vld [tilespmem:s5+$0xFFFFFF40]  }
0x57: {  	v15 =	vld [tilespmem:s19+$0xFFFFFF40]  }
0x58: {  	v58 =	vld [tilespmem:s5+$0xFFFFFF50]  }
0x59: {  	v59 =	vld [tilespmem:s19+$0xFFFFFF50];
	v2 =	vmul.f32 v3, v2;
	v5 =	vmul.f32 v6, v5  }
0x5a: {  	v61 =	vld [tilespmem:s20+$0xFFFFFF50];
	v60 =	vmul.f32 v9, v8  }
0x5b: {  	v62 =	vld [tilespmem:s5+$0xFFFFFF60];
	v2 =	vmul.f32 v4, v2;
	v5 =	vmul.f32 v7, v5  }
0x5c: {  	v3 =	vld [tilespmem:s20+$0xFFFFFF40]  }
0x5d: {  	v16 =	vld [tilespmem:s19+$0xFFFFFF60];
	v12 =	vmul.f32 v12, v11;
	v63 =	vmul.f32 v10, v60;
	v2 =	vadd.f32 v5, v2  }
0x5e: {  	v17 =	vld [tilespmem:s20+$0xFFFFFF60]  }
0x5f: {  	v20 =	vld [tilespmem:s5+$0xFFFFFF70];
	v19 =	vmul.f32 v15, v14;
	v18 =	vmul.f32 v13, v12;
	v2 =	vadd.f32 v63, v2  }
0x60: {  	v21 =	vld [tilespmem:s19+$0xFFFFFF70]  }
0x61: {  	v4 =	vmul.f32 v59, v58;
	v3 =	vmul.f32 v3, v19;
	v2 =	vadd.f32 v18, v2  }
0x62: {  	v22 =	vld [tilespmem:s20+$0xFFFFFF70]  }
0x63: {  	v23 =	vmul.f32 v16, v62;
	v2 =	vadd.f32 v3, v2;
	v3 =	vmul.f32 v61, v4;
	_ =	sdelay $0x1  }
0x64: {  	s18 =	sadd.s32 $0xFFFFFFFD, s25;
	v24 =	vmul.f32 v21, v20;
	v2 =	vadd.f32 v3, v2;
	v3 =	vmul.f32 v17, v23  }
0x65: {  	v25 =	vadd.s32 s18, v0  }
0x66: {  	v2 =	vadd.f32 v3, v2;
	v3 =	vmul.f32 v22, v24;
	_ =	sdelay $0x1  }
0x67: {  	v2 =	vadd.f32 v3, v2;
	_ =	sdelay $0x1  }
0x68: {  	[tilespmem:v25+s24+$0x0] =	vst.idx.msk $0xffff, v2  }
0x69: {  	v2 =	vld [tilespmem:s5+$0xFFFFFF80]  }
0x6a: {  	v3 =	vld [tilespmem:s19+$0xFFFFFF80]  }
0x6b: {  	v26 =	vld [tilespmem:s20+$0xFFFFFF80]  }
0x6c: {  	v27 =	vld [tilespmem:s5+$0xFFFFFF90]  }
0x6d: {  	v6 =	vld [tilespmem:s19+$0xFFFFFF90]  }
0x6e: {  	v28 =	vld [tilespmem:s20+$0xFFFFFF90]  }
0x6f: {  	v29 =	vld [tilespmem:s5+$0xFFFFFFA0]  }
0x70: {  	v30 =	vld [tilespmem:s19+$0xFFFFFFA0]  }
0x71: {  	v31 =	vld [tilespmem:s20+$0xFFFFFFA0]  }
0x72: {  	v32 =	vld [tilespmem:s5+$0xFFFFFFB0]  }
0x73: {  	v33 =	vld [tilespmem:s19+$0xFFFFFFB0]  }
0x74: {  	v34 =	vld [tilespmem:s20+$0xFFFFFFB0]  }
0x75: {  	v35 =	vld [tilespmem:s5+$0xFFFFFFC0]  }
0x76: {  	v36 =	vld [tilespmem:s19+$0xFFFFFFC0]  }
0x77: {  	v37 =	vld [tilespmem:s5+$0xFFFFFFD0]  }
0x78: {  	v38 =	vld [tilespmem:s19+$0xFFFFFFD0];
	v2 =	vmul.f32 v3, v2;
	v5 =	vmul.f32 v6, v27  }
0x79: {  	v40 =	vld [tilespmem:s20+$0xFFFFFFD0];
	v39 =	vmul.f32 v30, v29  }
0x7a: {  	v41 =	vld [tilespmem:s5+$0xFFFFFFE0];
	v2 =	vmul.f32 v26, v2;
	v5 =	vmul.f32 v28, v5  }
0x7b: {  	v3 =	vld [tilespmem:s20+$0xFFFFFFC0]  }
0x7c: {  	v44 =	vld [tilespmem:s19+$0xFFFFFFE0];
	v43 =	vmul.f32 v33, v32;
	v42 =	vmul.f32 v31, v39;
	v2 =	vadd.f32 v5, v2  }
0x7d: {  	v45 =	vld [tilespmem:s20+$0xFFFFFFE0]  }
0x7e: {  	v48 =	vld [tilespmem:s5+$0xFFFFFFF0];
	v47 =	vmul.f32 v36, v35;
	v46 =	vmul.f32 v34, v43;
	v2 =	vadd.f32 v42, v2  }
0x7f: {  	v49 =	vld [tilespmem:s19+$0xFFFFFFF0]  }
0x80: {  	v4 =	vmul.f32 v38, v37;
	v3 =	vmul.f32 v3, v47;
	v2 =	vadd.f32 v46, v2  }
0x81: {  	v50 =	vld [tilespmem:s20+$0xFFFFFFF0]  }
0x82: {  	v51 =	vmul.f32 v44, v41;
	v2 =	vadd.f32 v3, v2;
	v3 =	vmul.f32 v40, v4;
	_ =	sdelay $0x1  }
0x83: {  	s18 =	sadd.s32 $0xFFFFFFFE, s25;
	v52 =	vmul.f32 v49, v48;
	v2 =	vadd.f32 v3, v2;
	v3 =	vmul.f32 v45, v51  }
0x84: {  	v53 =	vadd.s32 s18, v0  }
0x85: {  	v2 =	vadd.f32 v3, v2;
	v3 =	vmul.f32 v50, v52;
	_ =	sdelay $0x1  }
0x86: {  	v2 =	vadd.f32 v3, v2;
	_ =	sdelay $0x1  }
0x87: {  	[tilespmem:v53+s24+$0x0] =	vst.idx.msk $0xffff, v2  }
0x88: {  	v2 =	vld [tilespmem:s5+$0x0]  }
0x89: {  	v3 =	vld [tilespmem:s19+$0x0]  }
0x8a: {  	v54 =	vld [tilespmem:s20+$0x0]  }
0x8b: {  	v55 =	vld [tilespmem:s5+$0x10]  }
0x8c: {  	v6 =	vld [tilespmem:s19+$0x10]  }
0x8d: {  	v56 =	vld [tilespmem:s20+$0x10]  }
0x8e: {  	v57 =	vld [tilespmem:s5+$0x20]  }
0x8f: {  	v58 =	vld [tilespmem:s19+$0x20]  }
0x90: {  	v59 =	vld [tilespmem:s20+$0x20]  }
0x91: {  	v60 =	vld [tilespmem:s5+$0x30]  }
0x92: {  	v61 =	vld [tilespmem:s19+$0x30]  }
0x93: {  	v62 =	vld [tilespmem:s20+$0x30]  }
0x94: {  	v63 =	vld [tilespmem:s5+$0x40]  }
0x95: {  	v18 =	vld [tilespmem:s19+$0x40]  }
0x96: {  	v19 =	vld [tilespmem:s5+$0x50]  }
0x97: {  	v20 =	vld [tilespmem:s19+$0x50];
	v2 =	vmul.f32 v3, v2;
	v5 =	vmul.f32 v6, v55  }
0x98: {  	v22 =	vld [tilespmem:s20+$0x50];
	v21 =	vmul.f32 v58, v57  }
0x99: {  	v23 =	vld [tilespmem:s5+$0x60];
	v2 =	vmul.f32 v54, v2;
	v5 =	vmul.f32 v56, v5  }
0x9a: {  	v3 =	vld [tilespmem:s20+$0x40]  }
0x9b: {  	v26 =	vld [tilespmem:s19+$0x60];
	v25 =	vmul.f32 v61, v60;
	v24 =	vmul.f32 v59, v21;
	v2 =	vadd.f32 v5, v2  }
0x9c: {  	v27 =	vld [tilespmem:s20+$0x60]  }
0x9d: {  	v30 =	vld [tilespmem:s5+$0x70];
	v29 =	vmul.f32 v18, v63;
	v28 =	vmul.f32 v62, v25;
	v2 =	vadd.f32 v24, v2  }
0x9e: {  	v31 =	vld [tilespmem:s19+$0x70]  }
0x9f: {  	v4 =	vmul.f32 v20, v19;
	v3 =	vmul.f32 v3, v29;
	v2 =	vadd.f32 v28, v2  }
0xa0: {  	v32 =	vld [tilespmem:s20+$0x70]  }
0xa1: {  	v33 =	vmul.f32 v26, v23;
	v2 =	vadd.f32 v3, v2;
	v3 =	vmul.f32 v22, v4;
	_ =	sdelay $0x1  }
0xa2: {  	s18 =	sadd.s32 $0xFFFFFFFF, s25;
	v34 =	vmul.f32 v31, v30;
	v2 =	vadd.f32 v3, v2;
	v3 =	vmul.f32 v27, v33  }
0xa3: {  	v35 =	vadd.s32 s18, v0  }
0xa4: {  	v2 =	vadd.f32 v3, v2;
	v3 =	vmul.f32 v32, v34;
	_ =	sdelay $0x1  }
0xa5: {  	v2 =	vadd.f32 v3, v2;
	_ =	sdelay $0x1  }
0xa6: {  	[tilespmem:v35+s24+$0x0] =	vst.idx.msk $0xffff, v2  }
0xa7: {  	v2 =	vld [tilespmem:s5+$0x80]  }
0xa8: {  	v3 =	vld [tilespmem:s19+$0x80]  }
0xa9: {  	v36 =	vld [tilespmem:s20+$0x80]  }
0xaa: {  	v37 =	vld [tilespmem:s5+$0x90]  }
0xab: {  	v6 =	vld [tilespmem:s19+$0x90]  }
0xac: {  	v38 =	vld [tilespmem:s20+$0x90]  }
0xad: {  	v39 =	vld [tilespmem:s5+$0xA0]  }
0xae: {  	v40 =	vld [tilespmem:s19+$0xA0]  }
0xaf: {  	v41 =	vld [tilespmem:s20+$0xA0]  }
0xb0: {  	v42 =	vld [tilespmem:s5+$0xB0]  }
0xb1: {  	v43 =	vld [tilespmem:s19+$0xB0]  }
0xb2: {  	v44 =	vld [tilespmem:s20+$0xB0]  }
0xb3: {  	v45 =	vld [tilespmem:s5+$0xC0]  }
0xb4: {  	v46 =	vld [tilespmem:s19+$0xC0]  }
0xb5: {  	v47 =	vld [tilespmem:s5+$0xD0]  }
0xb6: {  	v48 =	vld [tilespmem:s19+$0xD0];
	v2 =	vmul.f32 v3, v2;
	v5 =	vmul.f32 v6, v37  }
0xb7: {  	v50 =	vld [tilespmem:s20+$0xD0];
	v49 =	vmul.f32 v40, v39  }
0xb8: {  	v51 =	vld [tilespmem:s5+$0xE0];
	v2 =	vmul.f32 v36, v2;
	v5 =	vmul.f32 v38, v5  }
0xb9: {  	v3 =	vld [tilespmem:s20+$0xC0]  }
0xba: {  	v54 =	vld [tilespmem:s19+$0xE0];
	v53 =	vmul.f32 v43, v42;
	v52 =	vmul.f32 v41, v49;
	v2 =	vadd.f32 v5, v2  }
0xbb: {  	v55 =	vld [tilespmem:s20+$0xE0]  }
0xbc: {  	v58 =	vld [tilespmem:s5+$0xF0];
	v57 =	vmul.f32 v46, v45;
	v56 =	vmul.f32 v44, v53;
	v2 =	vadd.f32 v52, v2  }
0xbd: {  	v59 =	vld [tilespmem:s19+$0xF0]  }
0xbe: {  	v4 =	vmul.f32 v48, v47;
	v3 =	vmul.f32 v3, v57;
	v2 =	vadd.f32 v56, v2  }
0xbf: {  	v60 =	vld [tilespmem:s20+$0xF0]  }
0xc0: {  	v61 =	vmul.f32 v54, v51;
	v2 =	vadd.f32 v3, v2;
	v3 =	vmul.f32 v50, v4;
	_ =	sdelay $0x1  }
0xc1: {  	v62 =	vmul.f32 v59, v58;
	v2 =	vadd.f32 v3, v2;
	v3 =	vmul.f32 v55, v61  }
0xc2: {  	p1 =	sne.s32 s25, $0xF;
	v63 =	vadd.s32 s25, v0  }
.Ltmp0:
0xc3: {  	v2 =	vadd.f32 v3, v2;
	v3 =	vmul.f32 v60, v62;
	(pc) =	sbr.rel @p1 .LBB2_5-.Ltmp0, $4  }
0xc4: {  	_ = 	snop  }
0xc5: {  	v2 =	vadd.f32 v3, v2  }
0xc6: {  	s25 =	sadd.s32 $0x4, s25  }
0xc7: {  	s5 =	sadd.s32 $0x200, s5;
	s19 =	sadd.s32 $0x200, s19;
	s20 =	sadd.s32 $0x200, s20;
	[tilespmem:v63+s24+$0x0] =	vst.idx.msk $0xffff, v2  }
0xc8: {  	v2 =	vld [tilespmem:$0x18800]  }
0xc9: {  	v3 =	vld [tilespmem:$0x18811];
	_ =	sdelay $0x1  }
0xca: {  	v4 =	vld [tilespmem:$0x18822];
	_ =	sdelay $0x1  }
0xcb: {  	v5 =	vld [tilespmem:$0x18833]  }
0xcc: {  	v2 =	vadd.f32 v3, v2  }
0xcd: {  	v3 =	vld [tilespmem:$0x18844]  }
0xce: {  	v2 =	vadd.f32 v4, v2  }
0xcf: {  	v56 =	vld [tilespmem:$0x18855]  }
0xd0: {  	v2 =	vadd.f32 v5, v2  }
0xd1: {  	v57 =	vld [tilespmem:$0x18866]  }
0xd2: {  	v2 =	vadd.f32 v3, v2  }
0xd3: {  	v3 =	vld [tilespmem:$0x18877]  }
0xd4: {  	v2 =	vadd.f32 v56, v2  }
0xd5: {  	v58 =	vld [tilespmem:$0x18888]  }
0xd6: {  	v2 =	vadd.f32 v57, v2  }
0xd7: {  	v59 =	vld [tilespmem:$0x18899]  }
0xd8: {  	v2 =	vadd.f32 v3, v2  }
0xd9: {  	v3 =	vld [tilespmem:$0x188AA]  }
0xda: {  	v2 =	vadd.f32 v58, v2  }
0xdb: {  	v60 =	vld [tilespmem:$0x188BB]  }
0xdc: {  	v2 =	vadd.f32 v59, v2  }
0xdd: {  	v61 =	vld [tilespmem:$0x188CC]  }
0xde: {  	v2 =	vadd.f32 v3, v2  }
0xdf: {  	v3 =	vld [tilespmem:$0x188DD]  }
0xe0: {  	v2 =	vadd.f32 v60, v2  }
0xe1: {  	v62 =	vld [tilespmem:$0x188EE]  }
0xe2: {  	v2 =	vadd.f32 v61, v2  }
0xe3: {  	v63 =	vld [tilespmem:$0x188FF]  }
0xe4: {  	v2 =	vadd.f32 v3, v2  }
0xe5: {  	v3 =	vld.idx.msk [tilespmem:v1+s22+$0x400 ss:$0x1], $0xffff  }
0xe6: {  	v2 =	vadd.f32 v62, v2;
	_ =	sdelay $0x1  }
0xe7: {  	v2 =	vadd.f32 v63, v2;
	_ =	sdelay $0x1  }
0xe8: {  	v2 =	vsub.f32 v3, v2;
	_ =	sdelay $0x1  }
0xe9: {  	v2 =	vadd.f32 $0.0e+00, v2;
	_ =	sdelay $0x1  }
0xea: {  	v2 =	vmul.f32 $1.442695020e+00, v2;
	_ =	sdelay $0x1  }
0xeb: {  	(erf) = vpow2.f32 v2;
	_ =	sdelay $0x8  }
0xec: {  	v2 =	vpop (erf)  }
0xed: {  	v2 =	vadd.f32 $1.000000000e+00, v2;
	_ =	sdelay $0x1  }
0xee: {  	(erf) = vrcp.f32 v2;
	_ =	sdelay $0x3  }
0xef: {  	s21 =	sadd.s32 $0x1, s21  }
0xf0: {  	p1 =	seq.s32 s21, $0x8  }
.Ltmp1:
0xf1: {  	_ = 	snop;
	(pc) =	sbr.rel @!p1 .LBB2_4-.Ltmp1, $3  }
0xf2: {  	_ =	sdelay $0x1  }
0xf3: {  	v2 =	vpop (erf)  }
0xf4: {  	s10 =	sadd.s32 $0x800, s10;
	s9 =	sadd.s32 $0x800, s9;
	s8 =	sadd.s32 $0x800, s8;
	[tilespmem:v1+s22+$0x600 ss:$0x1] =	vst.idx.msk $0xffff, v2  }
0xf5: {  	p1 =	seq.s32 s1, $0x4  }
.Ltmp2:
0xf6: {  	_ = 	snop;
	(pc) =	sbr.rel @!p1 .LBB2_3-.Ltmp2, $2  }
0xf7: {  	_ =	sdelay $0x2  }
0xf8: {  	p0 =	por !p0, !p0  }
0xf9: {  	s1 =	simm.s32 $0x600  }
0xfa: {  	[hbm4b:s13+s6] =	stream.linear.scatter [tilespmem:s1], [sflag:$0x8], $0x200, $0x38;
	[tilespmem:$0x18980] =	vst v63  }
0xfb: {  	_ =	swait.ge [sflag:s26], $0x200  }
0xfc: {  	[sflag:s26] =	ssyncset.done $0x0  }
0xfd: {  	[sflag:s26] =	ssyncadd.s32 $0xFFFFFE00  }
0xfe: {  	_ =	swait.ge [sflag:s28], $0x4000  }
0xff: {  	[sflag:s28] =	ssyncset.done $0x0  }
0x100: {  	s31 =	sadd.s32 $0x1, s31;
	[sflag:s28] =	ssyncadd.s32 $0xFFFFC000  }
0x101: {  	p0 =	sne.s32 s31, s14;
	_ =	swait.ge [sflag:s29], $0x4000  }
.Ltmp3:
0x102: {  	[sflag:s29] =	ssyncset.done $0x0;
	(pc) =	sbr.rel @p0 .LBB2_1-.Ltmp3, $4  }
0x103: {  	[sflag:s29] =	ssyncadd.s32 $0xFFFFC000  }
0x104: {  	_ =	swait.ge [sflag:s30], $0x200  }
0x105: {  	[sflag:s30] =	ssyncset.done $0x0  }
0x106: {  	[sflag:s30] =	ssyncadd.s32 $0xFFFFFE00  }
0x107: {  	_ =	sfence.sel $0x180000  }
0x108: {  	[bflag:$0x0] =	sbarrier.arrive $0xFFFF  }
0x109: {  	_ =	strace $0x90000047  }
0x10a: {  	s0 =	stileid.u32;
	[bflag:$0x2] =	sbarrier.arrive $0xFFFF  }
0x10b: {  	p0 =	sne.s32 s0, $0x0;
	s0 =	rddreg [dreg:$0xa]  }
0x10c: {  	s0 =	sadd.s32 @!p0 $0x100000, s0  }
0x10d: {  	[sflag:s0] =	ssyncadd.tile.s32 @!p0 $0x1;
	_ =	shalt  }
.Lfunc_end2:
_tile_overlayer_lowered:
.L_overlay_start_2:
0x10e: {  	(tag) =	ssettag $0x2  }
0x10f: {  	s0 =	rddreg [dreg:$0x0];
	s2 =	stileid.u32  }
0x110: {  	s1 =	rddreg [dreg:$0x1];
	p0 =	sne.s32 s2, $0x0  }
0x111: {  	s3 =	rddreg [dreg:$0x2];
	[bflag:$0x3] =	sbarrier.arrive $0xFFFF;
	s2 =	simm.s32 @!p0 $0x1C08  }
0x112: {  	[timem:s3], [sflag:s2] =	dma.local @!p0 [hbm:s0], s1  }
0x113: {  	s0 =	simm.s32 @!p0 $0x8  }
0x114: {  	_ =	swait.ge @!p0 [sflag:s0], s1  }
0x115: {  	s1 =	ssub.s32 @!p0 $0x0, s1;
	[sflag:s0] =	ssyncset.done @!p0 $0x0  }
0x116: {  	[sflag:s0] =	ssyncadd.s32 @!p0 s1  }
0x117: {  	[bflag:$0x3] =	sbarrier.arrive $0xFFFF  }
0x118: {  	_ =	shalt  }

</sc_bundles>
